<compile_context>
chip_gen: v7x
topology: tpu7x:2x2x1
jax: 0.10.2.dev20260603
libtpu: 0.0.44.dev20260713+nightly
codegen_flags: <defaults>
</compile_context>

<pallas_src>
import functools

import jax
import jax.numpy as jnp
from jax import lax
from jax.experimental import pallas as pl
from jax.experimental.pallas import tpu as pltpu
from jax.experimental.pallas import tpu_sc as plsc

B, S, A = 16, 64, 10
VOCAB, EMB, HID = 100000, 300, 64
EMBP = 384
NH_ATT = 32
HD_ATT = HID // NH_ATT
H_GAT = 16
POL = 3
F32 = jnp.float32


def _lrelu(x, slope):
    return jnp.where(x >= 0, x, x * slope)


_NROWS = S * B + A * B
_NPAD = 1280
_NW = 32
_RPW = _NPAD // _NW


def _sc_gather(table, idx):
    mesh = plsc.VectorSubcoreMesh(core_axis_name="c", subcore_axis_name="s")

    @functools.partial(
        pl.kernel,
        mesh=mesh,
        out_type=jax.ShapeDtypeStruct((_NPAD, EMBP), F32),
        scratch_types=[
            pltpu.VMEM((_RPW,), jnp.int32),
            pltpu.VMEM((_RPW, EMBP), F32),
            pltpu.SemaphoreType.DMA,
        ],
    )
    def gather_k(table_hbm, idx_hbm, out_hbm, idx_v, rows_v, sem):
        wid = lax.axis_index("s") * 2 + lax.axis_index("c")
        base = wid * _RPW
        pltpu.sync_copy(idx_hbm.at[pl.ds(base, _RPW)], idx_v)
        pltpu.async_copy(table_hbm.at[idx_v], rows_v, sem).wait()
        pltpu.sync_copy(rows_v, out_hbm.at[pl.ds(base, _RPW)])

    return gather_k(table, idx)


def _gru_body(ti_ref, ai_ref, li_ref, adj_ref, xc_ref, xa_ref,
              wihc_ref, whhc_ref, bihc_ref, bhhc_ref,
              wiha_ref, whha_ref, biha_ref, bhha_ref,
              ctx_out_ref, asp_out_ref, base_ref, maskp_ref, tl_ref, al_ref,
              xpc_ref, xpa_ref):
    tl = jnp.sum((ti_ref[...] != 0).astype(F32), axis=1, keepdims=True) + 5.0
    al = jnp.sum((ai_ref[...] != 0).astype(F32), axis=1, keepdims=True)
    ll = jnp.sum((li_ref[...] != 0).astype(F32), axis=1, keepdims=True)
    tl_ref[...] = tl
    al_ref[...] = al

    j = lax.broadcasted_iota(jnp.int32, (B, S), 1).astype(F32)
    base = (j >= ll) & (j <= ll + al - 1.0)
    adj_sum = jnp.sum(adj_ref[...][:, :, S - 5:], axis=2)
    maskp = base | ((adj_sum != 0) & (j < S - 5))
    base_ref[...] = base.astype(F32)
    maskp_ref[...] = maskp.astype(F32)

    def run_gru(x2d, wih_t, whh_t, bih, bhh, T, lens, out_ref, xp_ref):
        xp = jnp.dot(x2d, wih_t, preferred_element_type=F32) + bih
        xp_ref[...] = xp.reshape(B, T, 3 * HID)

        def step(t, h):
            xpt = xp_ref[:, pl.ds(t, 1), :][:, 0, :]
            hh = jnp.dot(h, whh_t, preferred_element_type=F32)
            r = jax.nn.sigmoid(xpt[:, 0:HID] + hh[:, 0:HID] + bhh[:, 0:HID])
            z = jax.nn.sigmoid(xpt[:, HID:2 * HID] + hh[:, HID:2 * HID]
                               + bhh[:, HID:2 * HID])
            n = jnp.tanh(xpt[:, 2 * HID:] + r * (hh[:, 2 * HID:]
                                                 + bhh[:, 2 * HID:]))
            h2 = (1.0 - z) * n + z * h
            tmask = (lens > t.astype(F32)).astype(F32)
            out_ref[:, pl.ds(t, 1), :] = (h2 * tmask)[:, None, :]
            return h2

        lax.fori_loop(0, T, step, jnp.zeros((B, HID), F32))

    run_gru(xc_ref[...], wihc_ref[...], whhc_ref[...], bihc_ref[...],
            bhhc_ref[...], S, tl, ctx_out_ref, xpc_ref)
    run_gru(xa_ref[...], wiha_ref[...], whha_ref[...], biha_ref[...],
            bhha_ref[...], A, al, asp_out_ref, xpa_ref)


def _gat_body(x_ref, adj_ref, wl_ref, bl_ref, wr_ref, br_ref, att_ref,
              gbias_ref, out_ref):
    x = x_ref[0]
    adjb = adj_ref[0]
    xl = jnp.dot(x, wl_ref[...], preferred_element_type=F32) + bl_ref[...]
    xr = jnp.dot(x, wr_ref[...], preferred_element_type=F32) + br_ref[...]

    r_i = lax.broadcasted_iota(jnp.int32, (S, S), 0)
    c_i = lax.broadcasted_iota(jnp.int32, (S, S), 1)
    allowed = ((adjb != 0) & (r_i != c_i)) | (r_i == c_i)

    acc = jnp.zeros((S, HID), F32)
    for h in range(H_GAT):
        xlh = xl[:, h * HID:(h + 1) * HID]
        xrh = xr[:, h * HID:(h + 1) * HID]
        e = _lrelu(xlh[:, None, :] + xrh[None, :, :], 0.2)
        att3 = att_ref[h:h + 1, :][None]
        logits = jnp.sum(e * att3, axis=2)
        ml = jnp.where(allowed, logits, -1e30)
        amax = jnp.max(ml, axis=0, keepdims=True)
        p = jnp.where(allowed, jnp.exp(logits - amax), 0.0)
        denom = jnp.sum(p, axis=0, keepdims=True)
        alpha = p / (denom + 1e-16)
        acc = acc + lax.dot_general(alpha, xlh, (((0,), (0,)), ((), ())),
                                    preferred_element_type=F32)

    xi = _lrelu(acc * (1.0 / H_GAT) + gbias_ref[...], 0.01)
    out_ref[0] = xi


def _att_head(k, q, wk_ref, bk_ref, wq_ref, bq_ref, blwk_ref, pw_ref, pb_ref,
              epairs, edup):
    kx = jnp.dot(k, wk_ref[...], preferred_element_type=F32) + bk_ref[...]
    qx = jnp.dot(q, wq_ref[...], preferred_element_type=F32) + bq_ref[...]
    kxp = jnp.dot(kx, blwk_ref[...], preferred_element_type=F32)
    logits = jnp.dot(kxp * qx, epairs, preferred_element_type=F32)
    m = jnp.max(logits, axis=0, keepdims=True)
    sc = jnp.exp(logits - m)
    sc = sc / jnp.sum(sc, axis=0, keepdims=True)
    sd = jnp.dot(sc, edup, preferred_element_type=F32)
    outf = jnp.sum(kx * sd, axis=0, keepdims=True)
    return jnp.dot(outf, pw_ref[...], preferred_element_type=F32) + pb_ref[...]


def _final_body(xi_ref, ctx_ref, asp_ref, base_ref, maskp_ref, tl_ref, al_ref,
                aawk_ref, aabk_ref, aawq_ref, aabq_ref, aablwk_ref, aapw_ref,
                aapb_ref, acwk_ref, acbk_ref, acwq_ref, acbq_ref, acblwk_ref,
                acpw_ref, acpb_ref, fcw_ref, fcb_ref, out_ref):
    ip_r = lax.broadcasted_iota(jnp.int32, (HID, NH_ATT), 0)
    ip_c = lax.broadcasted_iota(jnp.int32, (HID, NH_ATT), 1)
    epairs = (ip_r // HD_ATT == ip_c).astype(F32)
    id_r = lax.broadcasted_iota(jnp.int32, (NH_ATT, HID), 0)
    id_c = lax.broadcasted_iota(jnp.int32, (NH_ATT, HID), 1)
    edup = (id_c // HD_ATT == id_r).astype(F32)

    xi = xi_ref[0]
    ctx = ctx_ref[0]
    asp = asp_ref[0]
    x = xi * base_ref[0]
    cm = ctx * maskp_ref[0]

    am = lax.dot_general(x, cm, (((1,), (1,)), ((), ())),
                         preferred_element_type=F32)
    s = jnp.sum(am, axis=0, keepdims=True)
    s = s - jnp.max(s, axis=1, keepdims=True)
    es = jnp.exp(s)
    alpha = es / jnp.sum(es, axis=1, keepdims=True)
    gta = jnp.dot(alpha, cm, preferred_element_type=F32)

    al = al_ref[0]
    tl = tl_ref[0]
    asp_pool = jnp.sum(asp, axis=0, keepdims=True) / al
    ctx_pool = jnp.sum(ctx, axis=0, keepdims=True) / tl

    af = _att_head(asp, ctx_pool, aawk_ref, aabk_ref, aawq_ref, aabq_ref,
                   aablwk_ref, aapw_ref, aapb_ref, epairs, edup)
    cf = _att_head(ctx, asp_pool, acwk_ref, acbk_ref, acwq_ref, acbq_ref,
                   acblwk_ref, acpw_ref, acpb_ref, epairs, edup)

    fcw = fcw_ref[...]
    out = (jnp.dot(af, fcw[0:HID], preferred_element_type=F32)
           + jnp.dot(cf, fcw[HID:2 * HID], preferred_element_type=F32)
           + jnp.dot(gta, fcw[2 * HID:], preferred_element_type=F32)
           + fcb_ref[...])
    out_ref[0] = out


def _rep(shape):
    nd = len(shape)
    return pl.BlockSpec(shape, lambda b: (0,) * nd)


@jax.jit
def kernel(text_indices, aspect_indices, left_indices, adj, embed_table,
           gru_ctx_wih, gru_ctx_whh, gru_ctx_bih, gru_ctx_bhh,
           gru_asp_wih, gru_asp_whh, gru_asp_bih, gru_asp_bhh,
           aa_wk, aa_bk, aa_wq, aa_bq, aa_blw, aa_pw, aa_pb,
           ac_wk, ac_bk, ac_wq, ac_bq, ac_blw, ac_pw, ac_pb,
           gat_wl, gat_bl, gat_wr, gat_br, gat_att, gat_bias, fc_w, fc_b):
    idx_all = jnp.concatenate([
        text_indices.reshape(-1), aspect_indices.reshape(-1),
        jnp.zeros((_NPAD - _NROWS,), jnp.int32)])
    table_p = jnp.pad(embed_table, ((0, 0), (0, EMBP - EMB)))
    rows = _sc_gather(table_p, idx_all)
    xc = rows[:S * B]
    xa = rows[S * B:S * B + A * B]

    ctx, asp, base, maskp, tl, al = pl.pallas_call(
        _gru_body,
        out_shape=[
            jax.ShapeDtypeStruct((B, S, HID), F32),
            jax.ShapeDtypeStruct((B, A, HID), F32),
            jax.ShapeDtypeStruct((B, S), F32),
            jax.ShapeDtypeStruct((B, S), F32),
            jax.ShapeDtypeStruct((B, 1), F32),
            jax.ShapeDtypeStruct((B, 1), F32),
        ],
        scratch_shapes=[
            pltpu.VMEM((B, S, 3 * HID), F32),
            pltpu.VMEM((B, A, 3 * HID), F32),
        ],
    )(text_indices, aspect_indices, left_indices, adj, xc, xa,
      jnp.pad(gru_ctx_wih.T, ((0, EMBP - EMB), (0, 0))), gru_ctx_whh.T,
      gru_ctx_bih[None, :], gru_ctx_bhh[None, :],
      jnp.pad(gru_asp_wih.T, ((0, EMBP - EMB), (0, 0))), gru_asp_whh.T,
      gru_asp_bih[None, :], gru_asp_bhh[None, :])

    xi = pl.pallas_call(
        _gat_body,
        grid=(B,),
        in_specs=[
            pl.BlockSpec((1, S, HID), lambda b: (b, 0, 0)),
            pl.BlockSpec((1, S, S), lambda b: (b, 0, 0)),
            _rep((HID, H_GAT * HID)),
            _rep((1, H_GAT * HID)),
            _rep((HID, H_GAT * HID)),
            _rep((1, H_GAT * HID)),
            _rep((H_GAT, HID)),
            _rep((1, HID)),
        ],
        out_specs=pl.BlockSpec((1, S, HID), lambda b: (b, 0, 0)),
        out_shape=jax.ShapeDtypeStruct((B, S, HID), F32),
    )(ctx, adj, gat_wl, gat_bl[None, :], gat_wr, gat_br[None, :], gat_att,
      gat_bias[None, :])

    blwk_aa = jnp.kron(jnp.eye(NH_ATT, dtype=F32), aa_blw.T)
    blwk_ac = jnp.kron(jnp.eye(NH_ATT, dtype=F32), ac_blw.T)

    out3 = pl.pallas_call(
        _final_body,
        grid=(B,),
        in_specs=[
            pl.BlockSpec((1, S, HID), lambda b: (b, 0, 0)),
            pl.BlockSpec((1, S, HID), lambda b: (b, 0, 0)),
            pl.BlockSpec((1, A, HID), lambda b: (b, 0, 0)),
            pl.BlockSpec((1, S, 1), lambda b: (b, 0, 0)),
            pl.BlockSpec((1, S, 1), lambda b: (b, 0, 0)),
            pl.BlockSpec((1, 1, 1), lambda b: (b, 0, 0)),
            pl.BlockSpec((1, 1, 1), lambda b: (b, 0, 0)),
            _rep((HID, HID)), _rep((1, HID)), _rep((HID, HID)), _rep((1, HID)),
            _rep((HID, HID)), _rep((HID, HID)), _rep((1, HID)),
            _rep((HID, HID)), _rep((1, HID)), _rep((HID, HID)), _rep((1, HID)),
            _rep((HID, HID)), _rep((HID, HID)), _rep((1, HID)),
            _rep((3 * HID, POL)), _rep((1, POL)),
        ],
        out_specs=pl.BlockSpec((1, 1, POL), lambda b: (b, 0, 0)),
        out_shape=jax.ShapeDtypeStruct((B, 1, POL), F32),
    )(xi, ctx, asp, base[:, :, None], maskp[:, :, None],
      tl[:, :, None], al[:, :, None],
      aa_wk, aa_bk[None, :], aa_wq, aa_bq[None, :], blwk_aa, aa_pw,
      aa_pb[None, :],
      ac_wk, ac_bk[None, :], ac_wq, ac_bq[None, :], blwk_ac, ac_pw,
      ac_pb[None, :],
      fc_w, fc_b[None, :])

    return out3.reshape(B, POL)

# --- scband reference (transcript-rebuilt; emitter-appended) ---
"""Pipeline reference for scband-hete-gnns-87814901334299 (READ-ONLY COPY).

The authoritative reference and input builder live on the scoring server;
editing this copy changes nothing except your own understanding.
"""

import jax, jax.numpy as jnp
import numpy as np

B, S, A = 16, 64, 10
VOCAB, EMB, HID = 100000, 300, 64
NH_ATT = 32
HD_ATT = HID // NH_ATT
H_GAT = 16
POL = 3

PARAM_NAMES = ["embed_table", "gru_ctx_wih", "gru_ctx_whh", "gru_ctx_bih", "gru_ctx_bhh", "gru_asp_wih", "gru_asp_whh", "gru_asp_bih", "gru_asp_bhh", "aa_wk", "aa_bk", "aa_wq", "aa_bq", "aa_blw", "aa_pw", "aa_pb", "ac_wk", "ac_bk", "ac_wq", "ac_bq", "ac_blw", "ac_pw", "ac_pb", "gat_wl", "gat_bl", "gat_wr", "gat_br", "gat_att", "gat_bias", "fc_w", "fc_b"]


def _gru(x, lens, wih, whh, bih, bhh):
    T = x.shape[1]
    wir, wiz, win = jnp.split(wih, 3, axis=0)
    whr, whz, whn = jnp.split(whh, 3, axis=0)
    bir, biz, bin_ = jnp.split(bih, 3)
    bhr, bhz, bhn = jnp.split(bhh, 3)
    def step(h, xt):
        r = jax.nn.sigmoid(xt @ wir.T + bir + h @ whr.T + bhr)
        z = jax.nn.sigmoid(xt @ wiz.T + biz + h @ whz.T + bhz)
        n = jnp.tanh(xt @ win.T + bin_ + r * (h @ whn.T + bhn))
        h2 = (1.0 - z) * n + z * h
        return h2, h2
    h0 = jnp.zeros((x.shape[0], whh.shape[1]), x.dtype)
    _, outs = jax.lax.scan(step, h0, jnp.swapaxes(x, 0, 1))
    outs = jnp.swapaxes(outs, 0, 1)
    tmask = (jnp.arange(T)[None, :] < lens[:, None]).astype(outs.dtype)
    return outs * tmask[:, :, None]


def _attention(k, q, wk, bk, wq, bq, blw, pw, pb):
    if q.ndim == 2:
        q = q[:, None, :]
    mb, klen, qlen = k.shape[0], k.shape[1], q.shape[1]
    kx = (k @ wk + bk).reshape(mb, klen, NH_ATT, HD_ATT)
    kx = jnp.transpose(kx, (2, 0, 1, 3)).reshape(NH_ATT * mb, klen, HD_ATT)
    qx = (q @ wq + bq).reshape(mb, qlen, NH_ATT, HD_ATT)
    qx = jnp.transpose(qx, (2, 0, 1, 3)).reshape(NH_ATT * mb, qlen, HD_ATT)
    qw = qx @ blw
    score = jax.nn.softmax(qw @ jnp.swapaxes(kx, 1, 2), axis=-1)
    out = score @ kx
    out = jnp.concatenate(jnp.split(out, NH_ATT, axis=0), axis=-1)
    out = out @ pw + pb
    return out, score


def _gatv2(x, src, dst, emask, wl, bl, wr, br, att, bias):
    N = x.shape[0]
    xl = (x @ wl + bl).reshape(N, H_GAT, HID)
    xr = (x @ wr + br).reshape(N, H_GAT, HID)
    m = xl[src] + xr[dst]
    e = jax.nn.leaky_relu(m, 0.2)
    alpha = (e * att[None, :, :]).sum(-1)
    mm = emask[:, None]
    amax = jax.ops.segment_max(jnp.where(mm, alpha, -jnp.inf), dst, num_segments=N)
    alpha = jnp.where(mm, jnp.exp(alpha - amax[dst]), jnp.zeros((), alpha.dtype))
    denom = jax.ops.segment_sum(alpha, dst, num_segments=N)
    alpha = alpha / (denom[dst] + 1e-16)
    out = jax.ops.segment_sum(xl[src] * alpha[:, :, None], dst, num_segments=N)
    return out.mean(axis=1) + bias


def _forward(text_indices, aspect_indices, left_indices, adj, embed_table, gru_ctx_wih, gru_ctx_whh, gru_ctx_bih, gru_ctx_bhh, gru_asp_wih, gru_asp_whh, gru_asp_bih, gru_asp_bhh, aa_wk, aa_bk, aa_wq, aa_bq, aa_blw, aa_pw, aa_pb, ac_wk, ac_bk, ac_wq, ac_bq, ac_blw, ac_pw, ac_pb, gat_wl, gat_bl, gat_wr, gat_br, gat_att, gat_bias, fc_w, fc_b):
    text_len = (text_indices != 0).sum(-1) + 5
    aspect_len = (aspect_indices != 0).sum(-1)
    left_len = (left_indices != 0).sum(-1)
    context = embed_table[text_indices]
    aspect = embed_table[aspect_indices]
    context = _gru(context, text_len, gru_ctx_wih, gru_ctx_whh, gru_ctx_bih, gru_ctx_bhh)
    aspect = _gru(aspect, aspect_len, gru_asp_wih, gru_asp_whh, gru_asp_bih, gru_asp_bhh)
    start = left_len
    end = left_len + aspect_len - 1
    adj_sum = adj[:, :, -5:].sum(2)
    j = jnp.arange(S)[None, :]
    base = (j >= start[:, None]) & (j <= end[:, None])
    maskp = (base | ((adj_sum != 0) & (j < S - 5))).astype(context.dtype)[:, :, None]
    context_mask = maskp * context
    bidx = jnp.arange(B)[:, None, None]
    ridx = jnp.arange(S)[None, :, None]
    cidx = jnp.arange(S)[None, None, :]
    src0 = jnp.broadcast_to(bidx * S + ridx, (B, S, S)).reshape(-1)
    dst0 = jnp.broadcast_to(bidx * S + cidx, (B, S, S)).reshape(-1)
    emask0 = ((adj != 0) & (ridx != cidx)).reshape(-1)
    N = B * S
    src = jnp.concatenate([src0, jnp.arange(N)])
    dst = jnp.concatenate([dst0, jnp.arange(N)])
    emask = jnp.concatenate([emask0, jnp.ones((N,), bool)])
    xflat = context.reshape(-1, HID)
    x_i = jax.nn.leaky_relu(_gatv2(xflat, src, dst, emask, gat_wl, gat_bl, gat_wr, gat_br, gat_att, gat_bias), 0.01)
    x = x_i.reshape(B, S, HID)
    x = base.astype(x.dtype)[:, :, None] * x
    alpha_mat = x @ jnp.swapaxes(context_mask, 1, 2)
    alpha = jax.nn.softmax(alpha_mat.sum(1, keepdims=True), axis=2)
    gta_final = (alpha @ context_mask).squeeze(1)
    aspect_pool = aspect.sum(1) / aspect_len.astype(context.dtype)[:, None]
    context_pool = context.sum(1) / text_len.astype(context.dtype)[:, None]
    aspect_final, _ = _attention(aspect, context_pool, aa_wk, aa_bk, aa_wq, aa_bq, aa_blw, aa_pw, aa_pb)
    aspect_final = aspect_final.squeeze(1)
    context_final, _ = _attention(context, aspect_pool, ac_wk, ac_bk, ac_wq, ac_bq, ac_blw, ac_pw, ac_pb)
    context_final = context_final.squeeze(1)
    x_final = jnp.concatenate([aspect_final, context_final, gta_final], axis=-1)
    return x_final @ fc_w + fc_b


def setup_inputs(seed: int = 0) -> dict:
    key = jax.random.key(seed)
    ks = jax.random.split(key, 40)
    sc = 0.05
    inp = {}
    inp["text_indices"] = jax.random.randint(ks[0], (B, S), 0, VOCAB)
    inp["aspect_indices"] = jax.random.randint(ks[1], (B, A), 0, VOCAB)
    inp["left_indices"] = jax.random.randint(ks[2], (B, S), 0, 2)
    inp["adj"] = jax.random.randint(ks[3], (B, S, S), 0, 2).astype(jnp.float32)
    inp["embed_table"] = jax.random.normal(ks[4], (VOCAB, EMB), dtype=jnp.float32) * sc
    inp["gru_ctx_wih"] = jax.random.normal(ks[5], (3 * HID, EMB), dtype=jnp.float32) * sc
    inp["gru_ctx_whh"] = jax.random.normal(ks[6], (3 * HID, HID), dtype=jnp.float32) * sc
    inp["gru_ctx_bih"] = jnp.zeros((3 * HID,), jnp.float32)
    inp["gru_ctx_bhh"] = jnp.zeros((3 * HID,), jnp.float32)
    inp["gru_asp_wih"] = jax.random.normal(ks[7], (3 * HID, EMB), dtype=jnp.float32) * sc
    inp["gru_asp_whh"] = jax.random.normal(ks[8], (3 * HID, HID), dtype=jnp.float32) * sc
    inp["gru_asp_bih"] = jnp.zeros((3 * HID,), jnp.float32)
    inp["gru_asp_bhh"] = jnp.zeros((3 * HID,), jnp.float32)
    for i, nm in enumerate(["aa", "ac"]):
        kk = jax.random.split(ks[9 + i], 8)
        inp[nm + "_wk"] = jax.random.normal(kk[0], (HID, NH_ATT * HD_ATT), dtype=jnp.float32) * sc
        inp[nm + "_bk"] = jnp.zeros((NH_ATT * HD_ATT,), jnp.float32)
        inp[nm + "_wq"] = jax.random.normal(kk[1], (HID, NH_ATT * HD_ATT), dtype=jnp.float32) * sc
        inp[nm + "_bq"] = jnp.zeros((NH_ATT * HD_ATT,), jnp.float32)
        inp[nm + "_blw"] = jax.random.normal(kk[2], (HD_ATT, HD_ATT), dtype=jnp.float32) * sc
        inp[nm + "_pw"] = jax.random.normal(kk[3], (NH_ATT * HD_ATT, HID), dtype=jnp.float32) * sc
        inp[nm + "_pb"] = jnp.zeros((HID,), jnp.float32)
    inp["gat_wl"] = jax.random.normal(ks[12], (HID, H_GAT * HID), dtype=jnp.float32) * sc
    inp["gat_bl"] = jnp.zeros((H_GAT * HID,), jnp.float32)
    inp["gat_wr"] = jax.random.normal(ks[13], (HID, H_GAT * HID), dtype=jnp.float32) * sc
    inp["gat_br"] = jnp.zeros((H_GAT * HID,), jnp.float32)
    inp["gat_att"] = jax.random.normal(ks[14], (H_GAT, HID), dtype=jnp.float32) * sc
    inp["gat_bias"] = jnp.zeros((HID,), jnp.float32)
    inp["fc_w"] = jax.random.normal(ks[15], (3 * HID, POL), dtype=jnp.float32) * sc
    inp["fc_b"] = jnp.zeros((POL,), jnp.float32)
    return inp


def reference(text_indices, aspect_indices, left_indices, adj, embed_table, gru_ctx_wih, gru_ctx_whh, gru_ctx_bih, gru_ctx_bhh, gru_asp_wih, gru_asp_whh, gru_asp_bih, gru_asp_bhh, aa_wk, aa_bk, aa_wq, aa_bq, aa_blw, aa_pw, aa_pb, ac_wk, ac_bk, ac_wq, ac_bq, ac_blw, ac_pw, ac_pb, gat_wl, gat_bl, gat_wr, gat_br, gat_att, gat_bias, fc_w, fc_b):
    return _forward(text_indices, aspect_indices, left_indices, adj, embed_table, gru_ctx_wih, gru_ctx_whh, gru_ctx_bih, gru_ctx_bhh, gru_asp_wih, gru_asp_whh, gru_asp_bih, gru_asp_bhh, aa_wk, aa_bk, aa_wq, aa_bq, aa_blw, aa_pw, aa_pb, ac_wk, ac_bk, ac_wq, ac_bq, ac_blw, ac_pw, ac_pb, gat_wl, gat_bl, gat_wr, gat_br, gat_att, gat_bias, fc_w, fc_b)

if __name__ == "__main__":
    import jax
    _d = setup_inputs()
    print(jax.jit(kernel)(*tuple(_d.values())))

</pallas_src>

<mosaic_0001>
#map = affine_map<(d0, d1) -> (0, 0)>
#map1 = affine_map<(d0, d1) -> (0)>
module attributes {stable_mosaic.version = 14 : i64} {
  func.func @gather_k(%arg0: i32, %arg1: i32, %arg2: memref<100000x384xf32, #tpu.memory_space<hbm>>, %arg3: memref<1280xi32, #tpu.memory_space<hbm>>, %arg4: memref<1280x384xf32, #tpu.memory_space<hbm>>, %arg5: memref<40xi32, #tpu.memory_space<vmem>>, %arg6: memref<40x384xf32, #tpu.memory_space<vmem>>, %arg7: memref<!tpu.dma_semaphore, #tpu.memory_space<semaphore_mem>>) attributes {dimension_semantics = [#tpu.dimension_semantics<core_parallel>, #tpu.dimension_semantics<subcore_parallel>], iteration_bounds = array<i64: 2, 16>, scalar_prefetch = 0 : i64, scratch_operands = 3 : i64, tpu.core_type = #tpu.core_type<sc_vector_subcore>, window_params = [{transform_indices = #map}, {transform_indices = #map1}, {transform_indices = #map}]} {
    %mul3A = arith.constant 2 : i32
    %mul3A_0 = arith.muli %arg1, %mul3A : i32
    %add3A = arith.addi %mul3A_0, %arg0 : i32
    %mul3A_1 = arith.constant 40 : i32
    %mul3A_2 = arith.muli %add3A, %mul3A_1 : i32
    "tpu.region"() ({
      %run_scoped3A = tpu.sem_alloc : memref<!tpu.dma_semaphore, #tpu.memory_space<semaphore_mem>>
      %dma_start3A_7 = tpu.memref_slice %arg3[%mul3A_2] : memref<1280xi32, #tpu.memory_space<hbm>> -> memref<40xi32, #tpu.memory_space<hbm>>
      %dma_start3A_8 = tpu.memref_slice %arg3[%mul3A_2] : memref<1280xi32, #tpu.memory_space<hbm>> -> memref<40xi32, #tpu.memory_space<hbm>>
      tpu.enqueue_dma source(%dma_start3A_8 : memref<40xi32, #tpu.memory_space<hbm>>) target(%arg5 : memref<40xi32, #tpu.memory_space<vmem>>) target_semaphore(%run_scoped3A : memref<!tpu.dma_semaphore, #tpu.memory_space<semaphore_mem>>)
      %dma_wait3A_9 = tpu.memref_slice %arg3[%mul3A_2] : memref<1280xi32, #tpu.memory_space<hbm>> -> memref<40xi32, #tpu.memory_space<hbm>>
      %dma_wait3A_10 = tpu.memref_slice %arg3[%mul3A_2] : memref<1280xi32, #tpu.memory_space<hbm>> -> memref<40xi32, #tpu.memory_space<hbm>>
      tpu.wait_dma2 semaphore(%run_scoped3A : memref<!tpu.dma_semaphore, #tpu.memory_space<semaphore_mem>>) src(%dma_wait3A_10 : memref<40xi32, #tpu.memory_space<hbm>>) dst(%arg5 : memref<40xi32, #tpu.memory_space<vmem>>)
      tpu.yield
    }) : () -> ()
    %dma_start3A = arith.constant 0 : i32
    %dma_start3A_3 = arith.constant 0 : i32
    %dma_start3A_4 = tpu.memref_slice %arg2[%dma_start3A, %dma_start3A_3] : memref<100000x384xf32, #tpu.memory_space<hbm>> -> memref<100000x384xf32, #tpu.memory_space<hbm>>
    tpu.enqueue_indirect_dma source(%dma_start3A_4 : memref<100000x384xf32, #tpu.memory_space<hbm>>) target(%arg6 : memref<40x384xf32, #tpu.memory_space<vmem>>) offsets(%arg5 : memref<40xi32, #tpu.memory_space<vmem>>) semaphore(%arg7 : memref<!tpu.dma_semaphore, #tpu.memory_space<semaphore_mem>>)
    %dma_wait3A = arith.constant 0 : i32
    %dma_wait3A_5 = arith.constant 0 : i32
    %dma_wait3A_6 = tpu.memref_slice %arg2[%dma_wait3A, %dma_wait3A_5] : memref<100000x384xf32, #tpu.memory_space<hbm>> -> memref<100000x384xf32, #tpu.memory_space<hbm>>
    tpu.wait_indirect_dma semaphore(%arg7 : memref<!tpu.dma_semaphore, #tpu.memory_space<semaphore_mem>>) src(%dma_wait3A_6 : memref<100000x384xf32, #tpu.memory_space<hbm>>) dst(%arg6 : memref<40x384xf32, #tpu.memory_space<vmem>>)
    "tpu.region"() ({
      %run_scoped3A = tpu.sem_alloc : memref<!tpu.dma_semaphore, #tpu.memory_space<semaphore_mem>>
      %dma_start3A_7 = arith.constant 0 : i32
      %dma_start3A_8 = tpu.memref_slice %arg4[%mul3A_2, %dma_start3A_7] : memref<1280x384xf32, #tpu.memory_space<hbm>> -> memref<40x384xf32, #tpu.memory_space<hbm>>
      %dma_start3A_9 = arith.constant 0 : i32
      %dma_start3A_10 = tpu.memref_slice %arg4[%mul3A_2, %dma_start3A_9] : memref<1280x384xf32, #tpu.memory_space<hbm>> -> memref<40x384xf32, #tpu.memory_space<hbm>>
      tpu.enqueue_dma source(%arg6 : memref<40x384xf32, #tpu.memory_space<vmem>>) target(%dma_start3A_10 : memref<40x384xf32, #tpu.memory_space<hbm>>) target_semaphore(%run_scoped3A : memref<!tpu.dma_semaphore, #tpu.memory_space<semaphore_mem>>)
      %dma_wait3A_11 = arith.constant 0 : i32
      %dma_wait3A_12 = tpu.memref_slice %arg4[%mul3A_2, %dma_wait3A_11] : memref<1280x384xf32, #tpu.memory_space<hbm>> -> memref<40x384xf32, #tpu.memory_space<hbm>>
      %dma_wait3A_13 = arith.constant 0 : i32
      %dma_wait3A_14 = tpu.memref_slice %arg4[%mul3A_2, %dma_wait3A_13] : memref<1280x384xf32, #tpu.memory_space<hbm>> -> memref<40x384xf32, #tpu.memory_space<hbm>>
      tpu.wait_dma2 semaphore(%run_scoped3A : memref<!tpu.dma_semaphore, #tpu.memory_space<semaphore_mem>>) src(%arg6 : memref<40x384xf32, #tpu.memory_space<vmem>>) dst(%dma_wait3A_14 : memref<40x384xf32, #tpu.memory_space<hbm>>)
      tpu.yield
    }) : () -> ()
    return
  }
}

module attributes {stable_mosaic.version = 14 : i64} {
  func.func @_gat_body(%arg0: i32, %arg1: memref<1x64x64xf32, #tpu.memory_space<vmem>>, %arg2: memref<1x64x64xf32, #tpu.memory_space<vmem>>, %arg3: memref<64x1024xf32, #tpu.memory_space<vmem>>, %arg4: memref<1x1024xf32, #tpu.memory_space<vmem>>, %arg5: memref<64x1024xf32, #tpu.memory_space<vmem>>, %arg6: memref<1x1024xf32, #tpu.memory_space<vmem>>, %arg7: memref<16x64xf32, #tpu.memory_space<vmem>>, %arg8: memref<1x64xf32, #tpu.memory_space<vmem>>, %arg9: memref<1x64x64xf32, #tpu.memory_space<vmem>>) attributes {dimension_semantics = [#tpu.dimension_semantics<arbitrary>], iteration_bounds = array<i64: 16>, scalar_prefetch = 0 : i64, scratch_operands = 0 : i64, tpu.core_type = #tpu.core_type<tc>, window_params = [{transform_indices = @transform_0, window_bounds = array<i64: 1, 64, 64>}, {transform_indices = @transform_1, window_bounds = array<i64: 1, 64, 64>}, {pipeline_mode = #tpu.pipeline_mode<synchronous>, transform_indices = @transform_2, window_bounds = array<i64: 64, 1024>}, {pipeline_mode = #tpu.pipeline_mode<synchronous>, transform_indices = @transform_3, window_bounds = array<i64: 1, 1024>}, {pipeline_mode = #tpu.pipeline_mode<synchronous>, transform_indices = @transform_4, window_bounds = array<i64: 64, 1024>}, {pipeline_mode = #tpu.pipeline_mode<synchronous>, transform_indices = @transform_5, window_bounds = array<i64: 1, 1024>}, {pipeline_mode = #tpu.pipeline_mode<synchronous>, transform_indices = @transform_6, window_bounds = array<i64: 16, 64>}, {pipeline_mode = #tpu.pipeline_mode<synchronous>, transform_indices = @transform_7, window_bounds = array<i64: 1, 64>}, {transform_indices = @transform_8, window_bounds = array<i64: 1, 64, 64>}]} {
    %get3A = arith.constant 0 : index
    %get3A_0 = arith.constant 0 : index
    %get3A_1 = arith.constant 0 : index
    %get3A_2 = vector.load %arg1[%get3A, %get3A_0, %get3A_1] : memref<1x64x64xf32, #tpu.memory_space<vmem>>, vector<1x64x64xf32>
    %get3A_3 = vector.shape_cast %get3A_2 : vector<1x64x64xf32> to vector<64x64xf32>
    %get3A_4 = arith.constant 0 : index
    %get3A_5 = arith.constant 0 : index
    %get3A_6 = arith.constant 0 : index
    %get3A_7 = vector.load %arg2[%get3A_4, %get3A_5, %get3A_6] : memref<1x64x64xf32, #tpu.memory_space<vmem>>, vector<1x64x64xf32>
    %get3A_8 = vector.shape_cast %get3A_7 : vector<1x64x64xf32> to vector<64x64xf32>
    %get3A_9 = arith.constant 0 : index
    %get3A_10 = arith.constant 0 : index
    %get3A_11 = vector.load %arg3[%get3A_9, %get3A_10] : memref<64x1024xf32, #tpu.memory_space<vmem>>, vector<64x1024xf32>
    %dot_general3A = arith.constant dense<0.000000e+00> : vector<64x1024xf32>
    %dot_general3A_12 = tpu.matmul %get3A_3, %get3A_11, %dot_general3A {dimension_numbers = #tpu.dot_dimension_numbers<[1], [0], [0], [1], [0, 0, 1, 1], [], []>, transpose_lhs_hint = false} : vector<64x64xf32>, vector<64x1024xf32>, vector<64x1024xf32> -> vector<64x1024xf32>
    %get3A_13 = arith.constant 0 : index
    %get3A_14 = arith.constant 0 : index
    %get3A_15 = vector.load %arg4[%get3A_13, %get3A_14] : memref<1x1024xf32, #tpu.memory_space<vmem>>, vector<1x1024xf32>
    %add3A = vector.broadcast %get3A_15 : vector<1x1024xf32> to vector<64x1024xf32>
    %add3A_16 = arith.addf %dot_general3A_12, %add3A : vector<64x1024xf32>
    %get3A_17 = arith.constant 0 : index
    %get3A_18 = arith.constant 0 : index
    %get3A_19 = vector.load %arg5[%get3A_17, %get3A_18] : memref<64x1024xf32, #tpu.memory_space<vmem>>, vector<64x1024xf32>
    %dot_general3A_20 = arith.constant dense<0.000000e+00> : vector<64x1024xf32>
    %dot_general3A_21 = tpu.matmul %get3A_3, %get3A_19, %dot_general3A_20 {dimension_numbers = #tpu.dot_dimension_numbers<[1], [0], [0], [1], [0, 0, 1, 1], [], []>, transpose_lhs_hint = false} : vector<64x64xf32>, vector<64x1024xf32>, vector<64x1024xf32> -> vector<64x1024xf32>
    %get3A_22 = arith.constant 0 : index
    %get3A_23 = arith.constant 0 : index
    %get3A_24 = vector.load %arg6[%get3A_22, %get3A_23] : memref<1x1024xf32, #tpu.memory_space<vmem>>, vector<1x1024xf32>
    %add3A_25 = vector.broadcast %get3A_24 : vector<1x1024xf32> to vector<64x1024xf32>
    %add3A_26 = arith.addf %dot_general3A_21, %add3A_25 : vector<64x1024xf32>
    %iota3A = tpu.iota {dimensions = array<i32: 0>} : vector<64x64xi32>
    %iota3A_27 = tpu.iota {dimensions = array<i32: 1>} : vector<64x64xi32>
    %ne3A = arith.constant 0.000000e+00 : f32
    %ne3A_28 = vector.broadcast %ne3A : f32 to vector<64x64xf32>
    %ne3A_29 = arith.cmpf one, %get3A_8, %ne3A_28 : vector<64x64xf32>
    %ne3A_30 = arith.cmpi ne, %iota3A, %iota3A_27 : vector<64x64xi32>
    %and3A = arith.andi %ne3A_29, %ne3A_30 : vector<64x64xi1>
    %eq3A = arith.cmpi eq, %iota3A, %iota3A_27 : vector<64x64xi32>
    %or3A = arith.ori %and3A, %eq3A : vector<64x64xi1>
    %broadcast_in_dim3A = arith.constant 0.000000e+00 : f32
    %broadcast_in_dim3A_31 = vector.broadcast %broadcast_in_dim3A : f32 to vector<64x64xf32>
    %slice3A = vector.extract_strided_slice %add3A_16 {offsets = [0, 0], sizes = [64, 64], strides = [1, 1]} : vector<64x1024xf32> to vector<64x64xf32>
    %slice3A_32 = vector.extract_strided_slice %add3A_26 {offsets = [0, 0], sizes = [64, 64], strides = [1, 1]} : vector<64x1024xf32> to vector<64x64xf32>
    %broadcast_in_dim3A_33 = vector.shape_cast %slice3A : vector<64x64xf32> to vector<64x1x64xf32>
    %broadcast_in_dim3A_34 = vector.shape_cast %slice3A_32 : vector<64x64xf32> to vector<1x64x64xf32>
    %add3A_35 = vector.broadcast %broadcast_in_dim3A_33 : vector<64x1x64xf32> to vector<64x64x64xf32>
    %add3A_36 = vector.broadcast %broadcast_in_dim3A_34 : vector<1x64x64xf32> to vector<64x64x64xf32>
    %add3A_37 = arith.addf %add3A_35, %add3A_36 : vector<64x64x64xf32>
    %ge3A = arith.constant 0.000000e+00 : f32
    %ge3A_38 = vector.broadcast %ge3A : f32 to vector<64x64x64xf32>
    %ge3A_39 = arith.cmpf oge, %add3A_37, %ge3A_38 : vector<64x64x64xf32>
    %mul3A = arith.constant 2.000000e-01 : f32
    %mul3A_40 = vector.broadcast %mul3A : f32 to vector<64x64x64xf32>
    %mul3A_41 = arith.mulf %add3A_37, %mul3A_40 : vector<64x64x64xf32>
    %select_n3A = arith.select %ge3A_39, %add3A_37, %mul3A_41 : vector<64x64x64xi1>, vector<64x64x64xf32>
    %get3A_42 = arith.constant 0 : index
    %get3A_43 = arith.constant 0 : index
    %get3A_44 = vector.load %arg7[%get3A_42, %get3A_43] : memref<16x64xf32, #tpu.memory_space<vmem>>, vector<1x64xf32>
    %broadcast_in_dim3A_45 = vector.shape_cast %get3A_44 : vector<1x64xf32> to vector<1x1x64xf32>
    %mul3A_46 = vector.broadcast %broadcast_in_dim3A_45 : vector<1x1x64xf32> to vector<64x64x64xf32>
    %mul3A_47 = arith.mulf %select_n3A, %mul3A_46 : vector<64x64x64xf32>
    %reduce_sum3A = arith.constant dense<0.000000e+00> : vector<64x64xf32>
    %reduce_sum3A_48 = vector.multi_reduction <add>, %mul3A_47, %reduce_sum3A [2] : vector<64x64x64xf32> to vector<64x64xf32>
    %jit3A = arith.constant -1.000000e+30 : f32
    %broadcast_in_dim3A_49 = vector.broadcast %jit3A : f32 to vector<64x64xf32>
    %select_n3A_50 = arith.select %or3A, %reduce_sum3A_48, %broadcast_in_dim3A_49 : vector<64x64xi1>, vector<64x64xf32>
    %reduce_max3A = arith.constant dense<0xFF800000> : vector<64xf32>
    %reduce_max3A_51 = vector.multi_reduction <maximumf>, %select_n3A_50, %reduce_max3A [0] : vector<64x64xf32> to vector<64xf32>
    %broadcast_in_dim3A_52 = vector.shape_cast %reduce_max3A_51 : vector<64xf32> to vector<1x64xf32>
    %sub3A = vector.broadcast %broadcast_in_dim3A_52 : vector<1x64xf32> to vector<64x64xf32>
    %sub3A_53 = arith.subf %reduce_sum3A_48, %sub3A : vector<64x64xf32>
    %exp3A = math.exp %sub3A_53 : vector<64x64xf32>
    %jit3A_54 = arith.constant 0.000000e+00 : f32
    %broadcast_in_dim3A_55 = vector.broadcast %jit3A_54 : f32 to vector<64x64xf32>
    %select_n3A_56 = arith.select %or3A, %exp3A, %broadcast_in_dim3A_55 : vector<64x64xi1>, vector<64x64xf32>
    %reduce_sum3A_57 = arith.constant dense<0.000000e+00> : vector<64xf32>
    %reduce_sum3A_58 = vector.multi_reduction <add>, %select_n3A_56, %reduce_sum3A_57 [0] : vector<64x64xf32> to vector<64xf32>
    %broadcast_in_dim3A_59 = vector.shape_cast %reduce_sum3A_58 : vector<64xf32> to vector<1x64xf32>
    %add3A_60 = arith.constant 1.000000e-16 : f32
    %add3A_61 = vector.broadcast %add3A_60 : f32 to vector<1x64xf32>
    %add3A_62 = arith.addf %broadcast_in_dim3A_59, %add3A_61 : vector<1x64xf32>
    %div3A = vector.broadcast %add3A_62 : vector<1x64xf32> to vector<64x64xf32>
    %div3A_63 = arith.divf %select_n3A_56, %div3A : vector<64x64xf32>
    %dot_general3A_64 = arith.constant dense<0.000000e+00> : vector<64x64xf32>
    %dot_general3A_65 = tpu.matmul %div3A_63, %slice3A, %dot_general3A_64 {dimension_numbers = #tpu.dot_dimension_numbers<[0], [0], [1], [1], [0, 1, 1, 1], [], []>, transpose_lhs_hint = false} : vector<64x64xf32>, vector<64x64xf32>, vector<64x64xf32> -> vector<64x64xf32>
    %add3A_66 = arith.addf %broadcast_in_dim3A_31, %dot_general3A_65 : vector<64x64xf32>
    %slice3A_67 = vector.extract_strided_slice %add3A_16 {offsets = [0, 64], sizes = [64, 64], strides = [1, 1]} : vector<64x1024xf32> to vector<64x64xf32>
    %slice3A_68 = vector.extract_strided_slice %add3A_26 {offsets = [0, 64], sizes = [64, 64], strides = [1, 1]} : vector<64x1024xf32> to vector<64x64xf32>
    %broadcast_in_dim3A_69 = vector.shape_cast %slice3A_67 : vector<64x64xf32> to vector<64x1x64xf32>
    %broadcast_in_dim3A_70 = vector.shape_cast %slice3A_68 : vector<64x64xf32> to vector<1x64x64xf32>
    %add3A_71 = vector.broadcast %broadcast_in_dim3A_69 : vector<64x1x64xf32> to vector<64x64x64xf32>
    %add3A_72 = vector.broadcast %broadcast_in_dim3A_70 : vector<1x64x64xf32> to vector<64x64x64xf32>
    %add3A_73 = arith.addf %add3A_71, %add3A_72 : vector<64x64x64xf32>
    %ge3A_74 = arith.constant 0.000000e+00 : f32
    %ge3A_75 = vector.broadcast %ge3A_74 : f32 to vector<64x64x64xf32>
    %ge3A_76 = arith.cmpf oge, %add3A_73, %ge3A_75 : vector<64x64x64xf32>
    %mul3A_77 = arith.constant 2.000000e-01 : f32
    %mul3A_78 = vector.broadcast %mul3A_77 : f32 to vector<64x64x64xf32>
    %mul3A_79 = arith.mulf %add3A_73, %mul3A_78 : vector<64x64x64xf32>
    %select_n3A_80 = arith.select %ge3A_76, %add3A_73, %mul3A_79 : vector<64x64x64xi1>, vector<64x64x64xf32>
    %get3A_81 = arith.constant 1 : index
    %get3A_82 = arith.constant 0 : index
    %get3A_83 = vector.load %arg7[%get3A_81, %get3A_82] : memref<16x64xf32, #tpu.memory_space<vmem>>, vector<1x64xf32>
    %broadcast_in_dim3A_84 = vector.shape_cast %get3A_83 : vector<1x64xf32> to vector<1x1x64xf32>
    %mul3A_85 = vector.broadcast %broadcast_in_dim3A_84 : vector<1x1x64xf32> to vector<64x64x64xf32>
    %mul3A_86 = arith.mulf %select_n3A_80, %mul3A_85 : vector<64x64x64xf32>
    %reduce_sum3A_87 = arith.constant dense<0.000000e+00> : vector<64x64xf32>
    %reduce_sum3A_88 = vector.multi_reduction <add>, %mul3A_86, %reduce_sum3A_87 [2] : vector<64x64x64xf32> to vector<64x64xf32>
    %jit3A_89 = arith.constant -1.000000e+30 : f32
    %broadcast_in_dim3A_90 = vector.broadcast %jit3A_89 : f32 to vector<64x64xf32>
    %select_n3A_91 = arith.select %or3A, %reduce_sum3A_88, %broadcast_in_dim3A_90 : vector<64x64xi1>, vector<64x64xf32>
    %reduce_max3A_92 = arith.constant dense<0xFF800000> : vector<64xf32>
    %reduce_max3A_93 = vector.multi_reduction <maximumf>, %select_n3A_91, %reduce_max3A_92 [0] : vector<64x64xf32> to vector<64xf32>
    %broadcast_in_dim3A_94 = vector.shape_cast %reduce_max3A_93 : vector<64xf32> to vector<1x64xf32>
    %sub3A_95 = vector.broadcast %broadcast_in_dim3A_94 : vector<1x64xf32> to vector<64x64xf32>
    %sub3A_96 = arith.subf %reduce_sum3A_88, %sub3A_95 : vector<64x64xf32>
    %exp3A_97 = math.exp %sub3A_96 : vector<64x64xf32>
    %jit3A_98 = arith.constant 0.000000e+00 : f32
    %broadcast_in_dim3A_99 = vector.broadcast %jit3A_98 : f32 to vector<64x64xf32>
    %select_n3A_100 = arith.select %or3A, %exp3A_97, %broadcast_in_dim3A_99 : vector<64x64xi1>, vector<64x64xf32>
    %reduce_sum3A_101 = arith.constant dense<0.000000e+00> : vector<64xf32>
    %reduce_sum3A_102 = vector.multi_reduction <add>, %select_n3A_100, %reduce_sum3A_101 [0] : vector<64x64xf32> to vector<64xf32>
    %broadcast_in_dim3A_103 = vector.shape_cast %reduce_sum3A_102 : vector<64xf32> to vector<1x64xf32>
    %add3A_104 = arith.constant 1.000000e-16 : f32
    %add3A_105 = vector.broadcast %add3A_104 : f32 to vector<1x64xf32>
    %add3A_106 = arith.addf %broadcast_in_dim3A_103, %add3A_105 : vector<1x64xf32>
    %div3A_107 = vector.broadcast %add3A_106 : vector<1x64xf32> to vector<64x64xf32>
    %div3A_108 = arith.divf %select_n3A_100, %div3A_107 : vector<64x64xf32>
    %dot_general3A_109 = arith.constant dense<0.000000e+00> : vector<64x64xf32>
    %dot_general3A_110 = tpu.matmul %div3A_108, %slice3A_67, %dot_general3A_109 {dimension_numbers = #tpu.dot_dimension_numbers<[0], [0], [1], [1], [0, 1, 1, 1], [], []>, transpose_lhs_hint = false} : vector<64x64xf32>, vector<64x64xf32>, vector<64x64xf32> -> vector<64x64xf32>
    %add3A_111 = arith.addf %add3A_66, %dot_general3A_110 : vector<64x64xf32>
    %slice3A_112 = vector.extract_strided_slice %add3A_16 {offsets = [0, 128], sizes = [64, 64], strides = [1, 1]} : vector<64x1024xf32> to vector<64x64xf32>
    %slice3A_113 = vector.extract_strided_slice %add3A_26 {offsets = [0, 128], sizes = [64, 64], strides = [1, 1]} : vector<64x1024xf32> to vector<64x64xf32>
    %broadcast_in_dim3A_114 = vector.shape_cast %slice3A_112 : vector<64x64xf32> to vector<64x1x64xf32>
    %broadcast_in_dim3A_115 = vector.shape_cast %slice3A_113 : vector<64x64xf32> to vector<1x64x64xf32>
    %add3A_116 = vector.broadcast %broadcast_in_dim3A_114 : vector<64x1x64xf32> to vector<64x64x64xf32>
    %add3A_117 = vector.broadcast %broadcast_in_dim3A_115 : vector<1x64x64xf32> to vector<64x64x64xf32>
    %add3A_118 = arith.addf %add3A_116, %add3A_117 : vector<64x64x64xf32>
    %ge3A_119 = arith.constant 0.000000e+00 : f32
    %ge3A_120 = vector.broadcast %ge3A_119 : f32 to vector<64x64x64xf32>
    %ge3A_121 = arith.cmpf oge, %add3A_118, %ge3A_120 : vector<64x64x64xf32>
    %mul3A_122 = arith.constant 2.000000e-01 : f32
    %mul3A_123 = vector.broadcast %mul3A_122 : f32 to vector<64x64x64xf32>
    %mul3A_124 = arith.mulf %add3A_118, %mul3A_123 : vector<64x64x64xf32>
    %select_n3A_125 = arith.select %ge3A_121, %add3A_118, %mul3A_124 : vector<64x64x64xi1>, vector<64x64x64xf32>
    %get3A_126 = arith.constant 2 : index
    %get3A_127 = arith.constant 0 : index
    %get3A_128 = vector.load %arg7[%get3A_126, %get3A_127] : memref<16x64xf32, #tpu.memory_space<vmem>>, vector<1x64xf32>
    %broadcast_in_dim3A_129 = vector.shape_cast %get3A_128 : vector<1x64xf32> to vector<1x1x64xf32>
    %mul3A_130 = vector.broadcast %broadcast_in_dim3A_129 : vector<1x1x64xf32> to vector<64x64x64xf32>
    %mul3A_131 = arith.mulf %select_n3A_125, %mul3A_130 : vector<64x64x64xf32>
    %reduce_sum3A_132 = arith.constant dense<0.000000e+00> : vector<64x64xf32>
    %reduce_sum3A_133 = vector.multi_reduction <add>, %mul3A_131, %reduce_sum3A_132 [2] : vector<64x64x64xf32> to vector<64x64xf32>
    %jit3A_134 = arith.constant -1.000000e+30 : f32
    %broadcast_in_dim3A_135 = vector.broadcast %jit3A_134 : f32 to vector<64x64xf32>
    %select_n3A_136 = arith.select %or3A, %reduce_sum3A_133, %broadcast_in_dim3A_135 : vector<64x64xi1>, vector<64x64xf32>
    %reduce_max3A_137 = arith.constant dense<0xFF800000> : vector<64xf32>
    %reduce_max3A_138 = vector.multi_reduction <maximumf>, %select_n3A_136, %reduce_max3A_137 [0] : vector<64x64xf32> to vector<64xf32>
    %broadcast_in_dim3A_139 = vector.shape_cast %reduce_max3A_138 : vector<64xf32> to vector<1x64xf32>
    %sub3A_140 = vector.broadcast %broadcast_in_dim3A_139 : vector<1x64xf32> to vector<64x64xf32>
    %sub3A_141 = arith.subf %reduce_sum3A_133, %sub3A_140 : vector<64x64xf32>
    %exp3A_142 = math.exp %sub3A_141 : vector<64x64xf32>
    %jit3A_143 = arith.constant 0.000000e+00 : f32
    %broadcast_in_dim3A_144 = vector.broadcast %jit3A_143 : f32 to vector<64x64xf32>
    %select_n3A_145 = arith.select %or3A, %exp3A_142, %broadcast_in_dim3A_144 : vector<64x64xi1>, vector<64x64xf32>
    %reduce_sum3A_146 = arith.constant dense<0.000000e+00> : vector<64xf32>
    %reduce_sum3A_147 = vector.multi_reduction <add>, %select_n3A_145, %reduce_sum3A_146 [0] : vector<64x64xf32> to vector<64xf32>
    %broadcast_in_dim3A_148 = vector.shape_cast %reduce_sum3A_147 : vector<64xf32> to vector<1x64xf32>
    %add3A_149 = arith.constant 1.000000e-16 : f32
    %add3A_150 = vector.broadcast %add3A_149 : f32 to vector<1x64xf32>
    %add3A_151 = arith.addf %broadcast_in_dim3A_148, %add3A_150 : vector<1x64xf32>
    %div3A_152 = vector.broadcast %add3A_151 : vector<1x64xf32> to vector<64x64xf32>
    %div3A_153 = arith.divf %select_n3A_145, %div3A_152 : vector<64x64xf32>
    %dot_general3A_154 = arith.constant dense<0.000000e+00> : vector<64x64xf32>
    %dot_general3A_155 = tpu.matmul %div3A_153, %slice3A_112, %dot_general3A_154 {dimension_numbers = #tpu.dot_dimension_numbers<[0], [0], [1], [1], [0, 1, 1, 1], [], []>, transpose_lhs_hint = false} : vector<64x64xf32>, vector<64x64xf32>, vector<64x64xf32> -> vector<64x64xf32>
    %add3A_156 = arith.addf %add3A_111, %dot_general3A_155 : vector<64x64xf32>
    %slice3A_157 = vector.extract_strided_slice %add3A_16 {offsets = [0, 192], sizes = [64, 64], strides = [1, 1]} : vector<64x1024xf32> to vector<64x64xf32>
    %slice3A_158 = vector.extract_strided_slice %add3A_26 {offsets = [0, 192], sizes = [64, 64], strides = [1, 1]} : vector<64x1024xf32> to vector<64x64xf32>
    %broadcast_in_dim3A_159 = vector.shape_cast %slice3A_157 : vector<64x64xf32> to vector<64x1x64xf32>
    %broadcast_in_dim3A_160 = vector.shape_cast %slice3A_158 : vector<64x64xf32> to vector<1x64x64xf32>
    %add3A_161 = vector.broadcast %broadcast_in_dim3A_159 : vector<64x1x64xf32> to vector<64x64x64xf32>
    %add3A_162 = vector.broadcast %broadcast_in_dim3A_160 : vector<1x64x64xf32> to vector<64x64x64xf32>
    %add3A_163 = arith.addf %add3A_161, %add3A_162 : vector<64x64x64xf32>
    %ge3A_164 = arith.constant 0.000000e+00 : f32
    %ge3A_165 = vector.broadcast %ge3A_164 : f32 to vector<64x64x64xf32>
    %ge3A_166 = arith.cmpf oge, %add3A_163, %ge3A_165 : vector<64x64x64xf32>
    %mul3A_167 = arith.constant 2.000000e-01 : f32
    %mul3A_168 = vector.broadcast %mul3A_167 : f32 to vector<64x64x64xf32>
    %mul3A_169 = arith.mulf %add3A_163, %mul3A_168 : vector<64x64x64xf32>
    %select_n3A_170 = arith.select %ge3A_166, %add3A_163, %mul3A_169 : vector<64x64x64xi1>, vector<64x64x64xf32>
    %get3A_171 = arith.constant 3 : index
    %get3A_172 = arith.constant 0 : index
    %get3A_173 = vector.load %arg7[%get3A_171, %get3A_172] : memref<16x64xf32, #tpu.memory_space<vmem>>, vector<1x64xf32>
    %broadcast_in_dim3A_174 = vector.shape_cast %get3A_173 : vector<1x64xf32> to vector<1x1x64xf32>
    %mul3A_175 = vector.broadcast %broadcast_in_dim3A_174 : vector<1x1x64xf32> to vector<64x64x64xf32>
    %mul3A_176 = arith.mulf %select_n3A_170, %mul3A_175 : vector<64x64x64xf32>
    %reduce_sum3A_177 = arith.constant dense<0.000000e+00> : vector<64x64xf32>
    %reduce_sum3A_178 = vector.multi_reduction <add>, %mul3A_176, %reduce_sum3A_177 [2] : vector<64x64x64xf32> to vector<64x64xf32>
    %jit3A_179 = arith.constant -1.000000e+30 : f32
    %broadcast_in_dim3A_180 = vector.broadcast %jit3A_179 : f32 to vector<64x64xf32>
    %select_n3A_181 = arith.select %or3A, %reduce_sum3A_178, %broadcast_in_dim3A_180 : vector<64x64xi1>, vector<64x64xf32>
    %reduce_max3A_182 = arith.constant dense<0xFF800000> : vector<64xf32>
    %reduce_max3A_183 = vector.multi_reduction <maximumf>, %select_n3A_181, %reduce_max3A_182 [0] : vector<64x64xf32> to vector<64xf32>
    %broadcast_in_dim3A_184 = vector.shape_cast %reduce_max3A_183 : vector<64xf32> to vector<1x64xf32>
    %sub3A_185 = vector.broadcast %broadcast_in_dim3A_184 : vector<1x64xf32> to vector<64x64xf32>
    %sub3A_186 = arith.subf %reduce_sum3A_178, %sub3A_185 : vector<64x64xf32>
    %exp3A_187 = math.exp %sub3A_186 : vector<64x64xf32>
    %jit3A_188 = arith.constant 0.000000e+00 : f32
    %broadcast_in_dim3A_189 = vector.broadcast %jit3A_188 : f32 to vector<64x64xf32>
    %select_n3A_190 = arith.select %or3A, %exp3A_187, %broadcast_in_dim3A_189 : vector<64x64xi1>, vector<64x64xf32>
    %reduce_sum3A_191 = arith.constant dense<0.000000e+00> : vector<64xf32>
    %reduce_sum3A_192 = vector.multi_reduction <add>, %select_n3A_190, %reduce_sum3A_191 [0] : vector<64x64xf32> to vector<64xf32>
    %broadcast_in_dim3A_193 = vector.shape_cast %reduce_sum3A_192 : vector<64xf32> to vector<1x64xf32>
    %add3A_194 = arith.constant 1.000000e-16 : f32
    %add3A_195 = vector.broadcast %add3A_194 : f32 to vector<1x64xf32>
    %add3A_196 = arith.addf %broadcast_in_dim3A_193, %add3A_195 : vector<1x64xf32>
    %div3A_197 = vector.broadcast %add3A_196 : vector<1x64xf32> to vector<64x64xf32>
    %div3A_198 = arith.divf %select_n3A_190, %div3A_197 : vector<64x64xf32>
    %dot_general3A_199 = arith.constant dense<0.000000e+00> : vector<64x64xf32>
    %dot_general3A_200 = tpu.matmul %div3A_198, %slice3A_157, %dot_general3A_199 {dimension_numbers = #tpu.dot_dimension_numbers<[0], [0], [1], [1], [0, 1, 1, 1], [], []>, transpose_lhs_hint = false} : vector<64x64xf32>, vector<64x64xf32>, vector<64x64xf32> -> vector<64x64xf32>
    %add3A_201 = arith.addf %add3A_156, %dot_general3A_200 : vector<64x64xf32>
    %slice3A_202 = vector.extract_strided_slice %add3A_16 {offsets = [0, 256], sizes = [64, 64], strides = [1, 1]} : vector<64x1024xf32> to vector<64x64xf32>
    %slice3A_203 = vector.extract_strided_slice %add3A_26 {offsets = [0, 256], sizes = [64, 64], strides = [1, 1]} : vector<64x1024xf32> to vector<64x64xf32>
    %broadcast_in_dim3A_204 = vector.shape_cast %slice3A_202 : vector<64x64xf32> to vector<64x1x64xf32>
    %broadcast_in_dim3A_205 = vector.shape_cast %slice3A_203 : vector<64x64xf32> to vector<1x64x64xf32>
    %add3A_206 = vector.broadcast %broadcast_in_dim3A_204 : vector<64x1x64xf32> to vector<64x64x64xf32>
    %add3A_207 = vector.broadcast %broadcast_in_dim3A_205 : vector<1x64x64xf32> to vector<64x64x64xf32>
    %add3A_208 = arith.addf %add3A_206, %add3A_207 : vector<64x64x64xf32>
    %ge3A_209 = arith.constant 0.000000e+00 : f32
    %ge3A_210 = vector.broadcast %ge3A_209 : f32 to vector<64x64x64xf32>
    %ge3A_211 = arith.cmpf oge, %add3A_208, %ge3A_210 : vector<64x64x64xf32>
    %mul3A_212 = arith.constant 2.000000e-01 : f32
    %mul3A_213 = vector.broadcast %mul3A_212 : f32 to vector<64x64x64xf32>
    %mul3A_214 = arith.mulf %add3A_208, %mul3A_213 : vector<64x64x64xf32>
    %select_n3A_215 = arith.select %ge3A_211, %add3A_208, %mul3A_214 : vector<64x64x64xi1>, vector<64x64x64xf32>
    %get3A_216 = arith.constant 4 : index
    %get3A_217 = arith.constant 0 : index
    %get3A_218 = vector.load %arg7[%get3A_216, %get3A_217] : memref<16x64xf32, #tpu.memory_space<vmem>>, vector<1x64xf32>
    %broadcast_in_dim3A_219 = vector.shape_cast %get3A_218 : vector<1x64xf32> to vector<1x1x64xf32>
    %mul3A_220 = vector.broadcast %broadcast_in_dim3A_219 : vector<1x1x64xf32> to vector<64x64x64xf32>
    %mul3A_221 = arith.mulf %select_n3A_215, %mul3A_220 : vector<64x64x64xf32>
    %reduce_sum3A_222 = arith.constant dense<0.000000e+00> : vector<64x64xf32>
    %reduce_sum3A_223 = vector.multi_reduction <add>, %mul3A_221, %reduce_sum3A_222 [2] : vector<64x64x64xf32> to vector<64x64xf32>
    %jit3A_224 = arith.constant -1.000000e+30 : f32
    %broadcast_in_dim3A_225 = vector.broadcast %jit3A_224 : f32 to vector<64x64xf32>
    %select_n3A_226 = arith.select %or3A, %reduce_sum3A_223, %broadcast_in_dim3A_225 : vector<64x64xi1>, vector<64x64xf32>
    %reduce_max3A_227 = arith.constant dense<0xFF800000> : vector<64xf32>
    %reduce_max3A_228 = vector.multi_reduction <maximumf>, %select_n3A_226, %reduce_max3A_227 [0] : vector<64x64xf32> to vector<64xf32>
    %broadcast_in_dim3A_229 = vector.shape_cast %reduce_max3A_228 : vector<64xf32> to vector<1x64xf32>
    %sub3A_230 = vector.broadcast %broadcast_in_dim3A_229 : vector<1x64xf32> to vector<64x64xf32>
    %sub3A_231 = arith.subf %reduce_sum3A_223, %sub3A_230 : vector<64x64xf32>
    %exp3A_232 = math.exp %sub3A_231 : vector<64x64xf32>
    %jit3A_233 = arith.constant 0.000000e+00 : f32
    %broadcast_in_dim3A_234 = vector.broadcast %jit3A_233 : f32 to vector<64x64xf32>
    %select_n3A_235 = arith.select %or3A, %exp3A_232, %broadcast_in_dim3A_234 : vector<64x64xi1>, vector<64x64xf32>
    %reduce_sum3A_236 = arith.constant dense<0.000000e+00> : vector<64xf32>
    %reduce_sum3A_237 = vector.multi_reduction <add>, %select_n3A_235, %reduce_sum3A_236 [0] : vector<64x64xf32> to vector<64xf32>
    %broadcast_in_dim3A_238 = vector.shape_cast %reduce_sum3A_237 : vector<64xf32> to vector<1x64xf32>
    %add3A_239 = arith.constant 1.000000e-16 : f32
    %add3A_240 = vector.broadcast %add3A_239 : f32 to vector<1x64xf32>
    %add3A_241 = arith.addf %broadcast_in_dim3A_238, %add3A_240 : vector<1x64xf32>
    %div3A_242 = vector.broadcast %add3A_241 : vector<1x64xf32> to vector<64x64xf32>
    %div3A_243 = arith.divf %select_n3A_235, %div3A_242 : vector<64x64xf32>
    %dot_general3A_244 = arith.constant dense<0.000000e+00> : vector<64x64xf32>
    %dot_general3A_245 = tpu.matmul %div3A_243, %slice3A_202, %dot_general3A_244 {dimension_numbers = #tpu.dot_dimension_numbers<[0], [0], [1], [1], [0, 1, 1, 1], [], []>, transpose_lhs_hint = false} : vector<64x64xf32>, vector<64x64xf32>, vector<64x64xf32> -> vector<64x64xf32>
    %add3A_246 = arith.addf %add3A_201, %dot_general3A_245 : vector<64x64xf32>
    %slice3A_247 = vector.extract_strided_slice %add3A_16 {offsets = [0, 320], sizes = [64, 64], strides = [1, 1]} : vector<64x1024xf32> to vector<64x64xf32>
    %slice3A_248 = vector.extract_strided_slice %add3A_26 {offsets = [0, 320], sizes = [64, 64], strides = [1, 1]} : vector<64x1024xf32> to vector<64x64xf32>
    %broadcast_in_dim3A_249 = vector.shape_cast %slice3A_247 : vector<64x64xf32> to vector<64x1x64xf32>
    %broadcast_in_dim3A_250 = vector.shape_cast %slice3A_248 : vector<64x64xf32> to vector<1x64x64xf32>
    %add3A_251 = vector.broadcast %broadcast_in_dim3A_249 : vector<64x1x64xf32> to vector<64x64x64xf32>
    %add3A_252 = vector.broadcast %broadcast_in_dim3A_250 : vector<1x64x64xf32> to vector<64x64x64xf32>
    %add3A_253 = arith.addf %add3A_251, %add3A_252 : vector<64x64x64xf32>
    %ge3A_254 = arith.constant 0.000000e+00 : f32
    %ge3A_255 = vector.broadcast %ge3A_254 : f32 to vector<64x64x64xf32>
    %ge3A_256 = arith.cmpf oge, %add3A_253, %ge3A_255 : vector<64x64x64xf32>
    %mul3A_257 = arith.constant 2.000000e-01 : f32
    %mul3A_258 = vector.broadcast %mul3A_257 : f32 to vector<64x64x64xf32>
    %mul3A_259 = arith.mulf %add3A_253, %mul3A_258 : vector<64x64x64xf32>
    %select_n3A_260 = arith.select %ge3A_256, %add3A_253, %mul3A_259 : vector<64x64x64xi1>, vector<64x64x64xf32>
    %get3A_261 = arith.constant 5 : index
    %get3A_262 = arith.constant 0 : index
    %get3A_263 = vector.load %arg7[%get3A_261, %get3A_262] : memref<16x64xf32, #tpu.memory_space<vmem>>, vector<1x64xf32>
    %broadcast_in_dim3A_264 = vector.shape_cast %get3A_263 : vector<1x64xf32> to vector<1x1x64xf32>
    %mul3A_265 = vector.broadcast %broadcast_in_dim3A_264 : vector<1x1x64xf32> to vector<64x64x64xf32>
    %mul3A_266 = arith.mulf %select_n3A_260, %mul3A_265 : vector<64x64x64xf32>
    %reduce_sum3A_267 = arith.constant dense<0.000000e+00> : vector<64x64xf32>
    %reduce_sum3A_268 = vector.multi_reduction <add>, %mul3A_266, %reduce_sum3A_267 [2] : vector<64x64x64xf32> to vector<64x64xf32>
    %jit3A_269 = arith.constant -1.000000e+30 : f32
    %broadcast_in_dim3A_270 = vector.broadcast %jit3A_269 : f32 to vector<64x64xf32>
    %select_n3A_271 = arith.select %or3A, %reduce_sum3A_268, %broadcast_in_dim3A_270 : vector<64x64xi1>, vector<64x64xf32>
    %reduce_max3A_272 = arith.constant dense<0xFF800000> : vector<64xf32>
    %reduce_max3A_273 = vector.multi_reduction <maximumf>, %select_n3A_271, %reduce_max3A_272 [0] : vector<64x64xf32> to vector<64xf32>
    %broadcast_in_dim3A_274 = vector.shape_cast %reduce_max3A_273 : vector<64xf32> to vector<1x64xf32>
    %sub3A_275 = vector.broadcast %broadcast_in_dim3A_274 : vector<1x64xf32> to vector<64x64xf32>
    %sub3A_276 = arith.subf %reduce_sum3A_268, %sub3A_275 : vector<64x64xf32>
    %exp3A_277 = math.exp %sub3A_276 : vector<64x64xf32>
    %jit3A_278 = arith.constant 0.000000e+00 : f32
    %broadcast_in_dim3A_279 = vector.broadcast %jit3A_278 : f32 to vector<64x64xf32>
    %select_n3A_280 = arith.select %or3A, %exp3A_277, %broadcast_in_dim3A_279 : vector<64x64xi1>, vector<64x64xf32>
    %reduce_sum3A_281 = arith.constant dense<0.000000e+00> : vector<64xf32>
    %reduce_sum3A_282 = vector.multi_reduction <add>, %select_n3A_280, %reduce_sum3A_281 [0] : vector<64x64xf32> to vector<64xf32>
    %broadcast_in_dim3A_283 = vector.shape_cast %reduce_sum3A_282 : vector<64xf32> to vector<1x64xf32>
    %add3A_284 = arith.constant 1.000000e-16 : f32
    %add3A_285 = vector.broadcast %add3A_284 : f32 to vector<1x64xf32>
    %add3A_286 = arith.addf %broadcast_in_dim3A_283, %add3A_285 : vector<1x64xf32>
    %div3A_287 = vector.broadcast %add3A_286 : vector<1x64xf32> to vector<64x64xf32>
    %div3A_288 = arith.divf %select_n3A_280, %div3A_287 : vector<64x64xf32>
    %dot_general3A_289 = arith.constant dense<0.000000e+00> : vector<64x64xf32>
    %dot_general3A_290 = tpu.matmul %div3A_288, %slice3A_247, %dot_general3A_289 {dimension_numbers = #tpu.dot_dimension_numbers<[0], [0], [1], [1], [0, 1, 1, 1], [], []>, transpose_lhs_hint = false} : vector<64x64xf32>, vector<64x64xf32>, vector<64x64xf32> -> vector<64x64xf32>
    %add3A_291 = arith.addf %add3A_246, %dot_general3A_290 : vector<64x64xf32>
    %slice3A_292 = vector.extract_strided_slice %add3A_16 {offsets = [0, 384], sizes = [64, 64], strides = [1, 1]} : vector<64x1024xf32> to vector<64x64xf32>
    %slice3A_293 = vector.extract_strided_slice %add3A_26 {offsets = [0, 384], sizes = [64, 64], strides = [1, 1]} : vector<64x1024xf32> to vector<64x64xf32>
    %broadcast_in_dim3A_294 = vector.shape_cast %slice3A_292 : vector<64x64xf32> to vector<64x1x64xf32>
    %broadcast_in_dim3A_295 = vector.shape_cast %slice3A_293 : vector<64x64xf32> to vector<1x64x64xf32>
    %add3A_296 = vector.broadcast %broadcast_in_dim3A_294 : vector<64x1x64xf32> to vector<64x64x64xf32>
    %add3A_297 = vector.broadcast %broadcast_in_dim3A_295 : vector<1x64x64xf32> to vector<64x64x64xf32>
    %add3A_298 = arith.addf %add3A_296, %add3A_297 : vector<64x64x64xf32>
    %ge3A_299 = arith.constant 0.000000e+00 : f32
    %ge3A_300 = vector.broadcast %ge3A_299 : f32 to vector<64x64x64xf32>
    %ge3A_301 = arith.cmpf oge, %add3A_298, %ge3A_300 : vector<64x64x64xf32>
    %mul3A_302 = arith.constant 2.000000e-01 : f32
    %mul3A_303 = vector.broadcast %mul3A_302 : f32 to vector<64x64x64xf32>
    %mul3A_304 = arith.mulf %add3A_298, %mul3A_303 : vector<64x64x64xf32>
    %select_n3A_305 = arith.select %ge3A_301, %add3A_298, %mul3A_304 : vector<64x64x64xi1>, vector<64x64x64xf32>
    %get3A_306 = arith.constant 6 : index
    %get3A_307 = arith.constant 0 : index
    %get3A_308 = vector.load %arg7[%get3A_306, %get3A_307] : memref<16x64xf32, #tpu.memory_space<vmem>>, vector<1x64xf32>
    %broadcast_in_dim3A_309 = vector.shape_cast %get3A_308 : vector<1x64xf32> to vector<1x1x64xf32>
    %mul3A_310 = vector.broadcast %broadcast_in_dim3A_309 : vector<1x1x64xf32> to vector<64x64x64xf32>
    %mul3A_311 = arith.mulf %select_n3A_305, %mul3A_310 : vector<64x64x64xf32>
    %reduce_sum3A_312 = arith.constant dense<0.000000e+00> : vector<64x64xf32>
    %reduce_sum3A_313 = vector.multi_reduction <add>, %mul3A_311, %reduce_sum3A_312 [2] : vector<64x64x64xf32> to vector<64x64xf32>
    %jit3A_314 = arith.constant -1.000000e+30 : f32
    %broadcast_in_dim3A_315 = vector.broadcast %jit3A_314 : f32 to vector<64x64xf32>
    %select_n3A_316 = arith.select %or3A, %reduce_sum3A_313, %broadcast_in_dim3A_315 : vector<64x64xi1>, vector<64x64xf32>
    %reduce_max3A_317 = arith.constant dense<0xFF800000> : vector<64xf32>
    %reduce_max3A_318 = vector.multi_reduction <maximumf>, %select_n3A_316, %reduce_max3A_317 [0] : vector<64x64xf32> to vector<64xf32>
    %broadcast_in_dim3A_319 = vector.shape_cast %reduce_max3A_318 : vector<64xf32> to vector<1x64xf32>
    %sub3A_320 = vector.broadcast %broadcast_in_dim3A_319 : vector<1x64xf32> to vector<64x64xf32>
    %sub3A_321 = arith.subf %reduce_sum3A_313, %sub3A_320 : vector<64x64xf32>
    %exp3A_322 = math.exp %sub3A_321 : vector<64x64xf32>
    %jit3A_323 = arith.constant 0.000000e+00 : f32
    %broadcast_in_dim3A_324 = vector.broadcast %jit3A_323 : f32 to vector<64x64xf32>
    %select_n3A_325 = arith.select %or3A, %exp3A_322, %broadcast_in_dim3A_324 : vector<64x64xi1>, vector<64x64xf32>
    %reduce_sum3A_326 = arith.constant dense<0.000000e+00> : vector<64xf32>
    %reduce_sum3A_327 = vector.multi_reduction <add>, %select_n3A_325, %reduce_sum3A_326 [0] : vector<64x64xf32> to vector<64xf32>
    %broadcast_in_dim3A_328 = vector.shape_cast %reduce_sum3A_327 : vector<64xf32> to vector<1x64xf32>
    %add3A_329 = arith.constant 1.000000e-16 : f32
    %add3A_330 = vector.broadcast %add3A_329 : f32 to vector<1x64xf32>
    %add3A_331 = arith.addf %broadcast_in_dim3A_328, %add3A_330 : vector<1x64xf32>
    %div3A_332 = vector.broadcast %add3A_331 : vector<1x64xf32> to vector<64x64xf32>
    %div3A_333 = arith.divf %select_n3A_325, %div3A_332 : vector<64x64xf32>
    %dot_general3A_334 = arith.constant dense<0.000000e+00> : vector<64x64xf32>
    %dot_general3A_335 = tpu.matmul %div3A_333, %slice3A_292, %dot_general3A_334 {dimension_numbers = #tpu.dot_dimension_numbers<[0], [0], [1], [1], [0, 1, 1, 1], [], []>, transpose_lhs_hint = false} : vector<64x64xf32>, vector<64x64xf32>, vector<64x64xf32> -> vector<64x64xf32>
    %add3A_336 = arith.addf %add3A_291, %dot_general3A_335 : vector<64x64xf32>
    %slice3A_337 = vector.extract_strided_slice %add3A_16 {offsets = [0, 448], sizes = [64, 64], strides = [1, 1]} : vector<64x1024xf32> to vector<64x64xf32>
    %slice3A_338 = vector.extract_strided_slice %add3A_26 {offsets = [0, 448], sizes = [64, 64], strides = [1, 1]} : vector<64x1024xf32> to vector<64x64xf32>
    %broadcast_in_dim3A_339 = vector.shape_cast %slice3A_337 : vector<64x64xf32> to vector<64x1x64xf32>
    %broadcast_in_dim3A_340 = vector.shape_cast %slice3A_338 : vector<64x64xf32> to vector<1x64x64xf32>
    %add3A_341 = vector.broadcast %broadcast_in_dim3A_339 : vector<64x1x64xf32> to vector<64x64x64xf32>
    %add3A_342 = vector.broadcast %broadcast_in_dim3A_340 : vector<1x64x64xf32> to vector<64x64x64xf32>
    %add3A_343 = arith.addf %add3A_341, %add3A_342 : vector<64x64x64xf32>
    %ge3A_344 = arith.constant 0.000000e+00 : f32
    %ge3A_345 = vector.broadcast %ge3A_344 : f32 to vector<64x64x64xf32>
    %ge3A_346 = arith.cmpf oge, %add3A_343, %ge3A_345 : vector<64x64x64xf32>
    %mul3A_347 = arith.constant 2.000000e-01 : f32
    %mul3A_348 = vector.broadcast %mul3A_347 : f32 to vector<64x64x64xf32>
    %mul3A_349 = arith.mulf %add3A_343, %mul3A_348 : vector<64x64x64xf32>
    %select_n3A_350 = arith.select %ge3A_346, %add3A_343, %mul3A_349 : vector<64x64x64xi1>, vector<64x64x64xf32>
    %get3A_351 = arith.constant 7 : index
    %get3A_352 = arith.constant 0 : index
    %get3A_353 = vector.load %arg7[%get3A_351, %get3A_352] : memref<16x64xf32, #tpu.memory_space<vmem>>, vector<1x64xf32>
    %broadcast_in_dim3A_354 = vector.shape_cast %get3A_353 : vector<1x64xf32> to vector<1x1x64xf32>
    %mul3A_355 = vector.broadcast %broadcast_in_dim3A_354 : vector<1x1x64xf32> to vector<64x64x64xf32>
    %mul3A_356 = arith.mulf %select_n3A_350, %mul3A_355 : vector<64x64x64xf32>
    %reduce_sum3A_357 = arith.constant dense<0.000000e+00> : vector<64x64xf32>
    %reduce_sum3A_358 = vector.multi_reduction <add>, %mul3A_356, %reduce_sum3A_357 [2] : vector<64x64x64xf32> to vector<64x64xf32>
    %jit3A_359 = arith.constant -1.000000e+30 : f32
    %broadcast_in_dim3A_360 = vector.broadcast %jit3A_359 : f32 to vector<64x64xf32>
    %select_n3A_361 = arith.select %or3A, %reduce_sum3A_358, %broadcast_in_dim3A_360 : vector<64x64xi1>, vector<64x64xf32>
    %reduce_max3A_362 = arith.constant dense<0xFF800000> : vector<64xf32>
    %reduce_max3A_363 = vector.multi_reduction <maximumf>, %select_n3A_361, %reduce_max3A_362 [0] : vector<64x64xf32> to vector<64xf32>
    %broadcast_in_dim3A_364 = vector.shape_cast %reduce_max3A_363 : vector<64xf32> to vector<1x64xf32>
    %sub3A_365 = vector.broadcast %broadcast_in_dim3A_364 : vector<1x64xf32> to vector<64x64xf32>
    %sub3A_366 = arith.subf %reduce_sum3A_358, %sub3A_365 : vector<64x64xf32>
    %exp3A_367 = math.exp %sub3A_366 : vector<64x64xf32>
    %jit3A_368 = arith.constant 0.000000e+00 : f32
    %broadcast_in_dim3A_369 = vector.broadcast %jit3A_368 : f32 to vector<64x64xf32>
    %select_n3A_370 = arith.select %or3A, %exp3A_367, %broadcast_in_dim3A_369 : vector<64x64xi1>, vector<64x64xf32>
    %reduce_sum3A_371 = arith.constant dense<0.000000e+00> : vector<64xf32>
    %reduce_sum3A_372 = vector.multi_reduction <add>, %select_n3A_370, %reduce_sum3A_371 [0] : vector<64x64xf32> to vector<64xf32>
    %broadcast_in_dim3A_373 = vector.shape_cast %reduce_sum3A_372 : vector<64xf32> to vector<1x64xf32>
    %add3A_374 = arith.constant 1.000000e-16 : f32
    %add3A_375 = vector.broadcast %add3A_374 : f32 to vector<1x64xf32>
    %add3A_376 = arith.addf %broadcast_in_dim3A_373, %add3A_375 : vector<1x64xf32>
    %div3A_377 = vector.broadcast %add3A_376 : vector<1x64xf32> to vector<64x64xf32>
    %div3A_378 = arith.divf %select_n3A_370, %div3A_377 : vector<64x64xf32>
    %dot_general3A_379 = arith.constant dense<0.000000e+00> : vector<64x64xf32>
    %dot_general3A_380 = tpu.matmul %div3A_378, %slice3A_337, %dot_general3A_379 {dimension_numbers = #tpu.dot_dimension_numbers<[0], [0], [1], [1], [0, 1, 1, 1], [], []>, transpose_lhs_hint = false} : vector<64x64xf32>, vector<64x64xf32>, vector<64x64xf32> -> vector<64x64xf32>
    %add3A_381 = arith.addf %add3A_336, %dot_general3A_380 : vector<64x64xf32>
    %slice3A_382 = vector.extract_strided_slice %add3A_16 {offsets = [0, 512], sizes = [64, 64], strides = [1, 1]} : vector<64x1024xf32> to vector<64x64xf32>
    %slice3A_383 = vector.extract_strided_slice %add3A_26 {offsets = [0, 512], sizes = [64, 64], strides = [1, 1]} : vector<64x1024xf32> to vector<64x64xf32>
    %broadcast_in_dim3A_384 = vector.shape_cast %slice3A_382 : vector<64x64xf32> to vector<64x1x64xf32>
    %broadcast_in_dim3A_385 = vector.shape_cast %slice3A_383 : vector<64x64xf32> to vector<1x64x64xf32>
    %add3A_386 = vector.broadcast %broadcast_in_dim3A_384 : vector<64x1x64xf32> to vector<64x64x64xf32>
    %add3A_387 = vector.broadcast %broadcast_in_dim3A_385 : vector<1x64x64xf32> to vector<64x64x64xf32>
    %add3A_388 = arith.addf %add3A_386, %add3A_387 : vector<64x64x64xf32>
    %ge3A_389 = arith.constant 0.000000e+00 : f32
    %ge3A_390 = vector.broadcast %ge3A_389 : f32 to vector<64x64x64xf32>
    %ge3A_391 = arith.cmpf oge, %add3A_388, %ge3A_390 : vector<64x64x64xf32>
    %mul3A_392 = arith.constant 2.000000e-01 : f32
    %mul3A_393 = vector.broadcast %mul3A_392 : f32 to vector<64x64x64xf32>
    %mul3A_394 = arith.mulf %add3A_388, %mul3A_393 : vector<64x64x64xf32>
    %select_n3A_395 = arith.select %ge3A_391, %add3A_388, %mul3A_394 : vector<64x64x64xi1>, vector<64x64x64xf32>
    %get3A_396 = arith.constant 8 : index
    %get3A_397 = arith.constant 0 : index
    %get3A_398 = vector.load %arg7[%get3A_396, %get3A_397] : memref<16x64xf32, #tpu.memory_space<vmem>>, vector<1x64xf32>
    %broadcast_in_dim3A_399 = vector.shape_cast %get3A_398 : vector<1x64xf32> to vector<1x1x64xf32>
    %mul3A_400 = vector.broadcast %broadcast_in_dim3A_399 : vector<1x1x64xf32> to vector<64x64x64xf32>
    %mul3A_401 = arith.mulf %select_n3A_395, %mul3A_400 : vector<64x64x64xf32>
    %reduce_sum3A_402 = arith.constant dense<0.000000e+00> : vector<64x64xf32>
    %reduce_sum3A_403 = vector.multi_reduction <add>, %mul3A_401, %reduce_sum3A_402 [2] : vector<64x64x64xf32> to vector<64x64xf32>
    %jit3A_404 = arith.constant -1.000000e+30 : f32
    %broadcast_in_dim3A_405 = vector.broadcast %jit3A_404 : f32 to vector<64x64xf32>
    %select_n3A_406 = arith.select %or3A, %reduce_sum3A_403, %broadcast_in_dim3A_405 : vector<64x64xi1>, vector<64x64xf32>
    %reduce_max3A_407 = arith.constant dense<0xFF800000> : vector<64xf32>
    %reduce_max3A_408 = vector.multi_reduction <maximumf>, %select_n3A_406, %reduce_max3A_407 [0] : vector<64x64xf32> to vector<64xf32>
    %broadcast_in_dim3A_409 = vector.shape_cast %reduce_max3A_408 : vector<64xf32> to vector<1x64xf32>
    %sub3A_410 = vector.broadcast %broadcast_in_dim3A_409 : vector<1x64xf32> to vector<64x64xf32>
    %sub3A_411 = arith.subf %reduce_sum3A_403, %sub3A_410 : vector<64x64xf32>
    %exp3A_412 = math.exp %sub3A_411 : vector<64x64xf32>
    %jit3A_413 = arith.constant 0.000000e+00 : f32
    %broadcast_in_dim3A_414 = vector.broadcast %jit3A_413 : f32 to vector<64x64xf32>
    %select_n3A_415 = arith.select %or3A, %exp3A_412, %broadcast_in_dim3A_414 : vector<64x64xi1>, vector<64x64xf32>
    %reduce_sum3A_416 = arith.constant dense<0.000000e+00> : vector<64xf32>
    %reduce_sum3A_417 = vector.multi_reduction <add>, %select_n3A_415, %reduce_sum3A_416 [0] : vector<64x64xf32> to vector<64xf32>
    %broadcast_in_dim3A_418 = vector.shape_cast %reduce_sum3A_417 : vector<64xf32> to vector<1x64xf32>
    %add3A_419 = arith.constant 1.000000e-16 : f32
    %add3A_420 = vector.broadcast %add3A_419 : f32 to vector<1x64xf32>
    %add3A_421 = arith.addf %broadcast_in_dim3A_418, %add3A_420 : vector<1x64xf32>
    %div3A_422 = vector.broadcast %add3A_421 : vector<1x64xf32> to vector<64x64xf32>
    %div3A_423 = arith.divf %select_n3A_415, %div3A_422 : vector<64x64xf32>
    %dot_general3A_424 = arith.constant dense<0.000000e+00> : vector<64x64xf32>
    %dot_general3A_425 = tpu.matmul %div3A_423, %slice3A_382, %dot_general3A_424 {dimension_numbers = #tpu.dot_dimension_numbers<[0], [0], [1], [1], [0, 1, 1, 1], [], []>, transpose_lhs_hint = false} : vector<64x64xf32>, vector<64x64xf32>, vector<64x64xf32> -> vector<64x64xf32>
    %add3A_426 = arith.addf %add3A_381, %dot_general3A_425 : vector<64x64xf32>
    %slice3A_427 = vector.extract_strided_slice %add3A_16 {offsets = [0, 576], sizes = [64, 64], strides = [1, 1]} : vector<64x1024xf32> to vector<64x64xf32>
    %slice3A_428 = vector.extract_strided_slice %add3A_26 {offsets = [0, 576], sizes = [64, 64], strides = [1, 1]} : vector<64x1024xf32> to vector<64x64xf32>
    %broadcast_in_dim3A_429 = vector.shape_cast %slice3A_427 : vector<64x64xf32> to vector<64x1x64xf32>
    %broadcast_in_dim3A_430 = vector.shape_cast %slice3A_428 : vector<64x64xf32> to vector<1x64x64xf32>
    %add3A_431 = vector.broadcast %broadcast_in_dim3A_429 : vector<64x1x64xf32> to vector<64x64x64xf32>
    %add3A_432 = vector.broadcast %broadcast_in_dim3A_430 : vector<1x64x64xf32> to vector<64x64x64xf32>
    %add3A_433 = arith.addf %add3A_431, %add3A_432 : vector<64x64x64xf32>
    %ge3A_434 = arith.constant 0.000000e+00 : f32
    %ge3A_435 = vector.broadcast %ge3A_434 : f32 to vector<64x64x64xf32>
    %ge3A_436 = arith.cmpf oge, %add3A_433, %ge3A_435 : vector<64x64x64xf32>
    %mul3A_437 = arith.constant 2.000000e-01 : f32
    %mul3A_438 = vector.broadcast %mul3A_437 : f32 to vector<64x64x64xf32>
    %mul3A_439 = arith.mulf %add3A_433, %mul3A_438 : vector<64x64x64xf32>
    %select_n3A_440 = arith.select %ge3A_436, %add3A_433, %mul3A_439 : vector<64x64x64xi1>, vector<64x64x64xf32>
    %get3A_441 = arith.constant 9 : index
    %get3A_442 = arith.constant 0 : index
    %get3A_443 = vector.load %arg7[%get3A_441, %get3A_442] : memref<16x64xf32, #tpu.memory_space<vmem>>, vector<1x64xf32>
    %broadcast_in_dim3A_444 = vector.shape_cast %get3A_443 : vector<1x64xf32> to vector<1x1x64xf32>
    %mul3A_445 = vector.broadcast %broadcast_in_dim3A_444 : vector<1x1x64xf32> to vector<64x64x64xf32>
    %mul3A_446 = arith.mulf %select_n3A_440, %mul3A_445 : vector<64x64x64xf32>
    %reduce_sum3A_447 = arith.constant dense<0.000000e+00> : vector<64x64xf32>
    %reduce_sum3A_448 = vector.multi_reduction <add>, %mul3A_446, %reduce_sum3A_447 [2] : vector<64x64x64xf32> to vector<64x64xf32>
    %jit3A_449 = arith.constant -1.000000e+30 : f32
    %broadcast_in_dim3A_450 = vector.broadcast %jit3A_449 : f32 to vector<64x64xf32>
    %select_n3A_451 = arith.select %or3A, %reduce_sum3A_448, %broadcast_in_dim3A_450 : vector<64x64xi1>, vector<64x64xf32>
    %reduce_max3A_452 = arith.constant dense<0xFF800000> : vector<64xf32>
    %reduce_max3A_453 = vector.multi_reduction <maximumf>, %select_n3A_451, %reduce_max3A_452 [0] : vector<64x64xf32> to vector<64xf32>
    %broadcast_in_dim3A_454 = vector.shape_cast %reduce_max3A_453 : vector<64xf32> to vector<1x64xf32>
    %sub3A_455 = vector.broadcast %broadcast_in_dim3A_454 : vector<1x64xf32> to vector<64x64xf32>
    %sub3A_456 = arith.subf %reduce_sum3A_448, %sub3A_455 : vector<64x64xf32>
    %exp3A_457 = math.exp %sub3A_456 : vector<64x64xf32>
    %jit3A_458 = arith.constant 0.000000e+00 : f32
    %broadcast_in_dim3A_459 = vector.broadcast %jit3A_458 : f32 to vector<64x64xf32>
    %select_n3A_460 = arith.select %or3A, %exp3A_457, %broadcast_in_dim3A_459 : vector<64x64xi1>, vector<64x64xf32>
    %reduce_sum3A_461 = arith.constant dense<0.000000e+00> : vector<64xf32>
    %reduce_sum3A_462 = vector.multi_reduction <add>, %select_n3A_460, %reduce_sum3A_461 [0] : vector<64x64xf32> to vector<64xf32>
    %broadcast_in_dim3A_463 = vector.shape_cast %reduce_sum3A_462 : vector<64xf32> to vector<1x64xf32>
    %add3A_464 = arith.constant 1.000000e-16 : f32
    %add3A_465 = vector.broadcast %add3A_464 : f32 to vector<1x64xf32>
    %add3A_466 = arith.addf %broadcast_in_dim3A_463, %add3A_465 : vector<1x64xf32>
    %div3A_467 = vector.broadcast %add3A_466 : vector<1x64xf32> to vector<64x64xf32>
    %div3A_468 = arith.divf %select_n3A_460, %div3A_467 : vector<64x64xf32>
    %dot_general3A_469 = arith.constant dense<0.000000e+00> : vector<64x64xf32>
    %dot_general3A_470 = tpu.matmul %div3A_468, %slice3A_427, %dot_general3A_469 {dimension_numbers = #tpu.dot_dimension_numbers<[0], [0], [1], [1], [0, 1, 1, 1], [], []>, transpose_lhs_hint = false} : vector<64x64xf32>, vector<64x64xf32>, vector<64x64xf32> -> vector<64x64xf32>
    %add3A_471 = arith.addf %add3A_426, %dot_general3A_470 : vector<64x64xf32>
    %slice3A_472 = vector.extract_strided_slice %add3A_16 {offsets = [0, 640], sizes = [64, 64], strides = [1, 1]} : vector<64x1024xf32> to vector<64x64xf32>
    %slice3A_473 = vector.extract_strided_slice %add3A_26 {offsets = [0, 640], sizes = [64, 64], strides = [1, 1]} : vector<64x1024xf32> to vector<64x64xf32>
    %broadcast_in_dim3A_474 = vector.shape_cast %slice3A_472 : vector<64x64xf32> to vector<64x1x64xf32>
    %broadcast_in_dim3A_475 = vector.shape_cast %slice3A_473 : vector<64x64xf32> to vector<1x64x64xf32>
    %add3A_476 = vector.broadcast %broadcast_in_dim3A_474 : vector<64x1x64xf32> to vector<64x64x64xf32>
    %add3A_477 = vector.broadcast %broadcast_in_dim3A_475 : vector<1x64x64xf32> to vector<64x64x64xf32>
    %add3A_478 = arith.addf %add3A_476, %add3A_477 : vector<64x64x64xf32>
    %ge3A_479 = arith.constant 0.000000e+00 : f32
    %ge3A_480 = vector.broadcast %ge3A_479 : f32 to vector<64x64x64xf32>
    %ge3A_481 = arith.cmpf oge, %add3A_478, %ge3A_480 : vector<64x64x64xf32>
    %mul3A_482 = arith.constant 2.000000e-01 : f32
    %mul3A_483 = vector.broadcast %mul3A_482 : f32 to vector<64x64x64xf32>
    %mul3A_484 = arith.mulf %add3A_478, %mul3A_483 : vector<64x64x64xf32>
    %select_n3A_485 = arith.select %ge3A_481, %add3A_478, %mul3A_484 : vector<64x64x64xi1>, vector<64x64x64xf32>
    %get3A_486 = arith.constant 10 : index
    %get3A_487 = arith.constant 0 : index
    %get3A_488 = vector.load %arg7[%get3A_486, %get3A_487] : memref<16x64xf32, #tpu.memory_space<vmem>>, vector<1x64xf32>
    %broadcast_in_dim3A_489 = vector.shape_cast %get3A_488 : vector<1x64xf32> to vector<1x1x64xf32>
    %mul3A_490 = vector.broadcast %broadcast_in_dim3A_489 : vector<1x1x64xf32> to vector<64x64x64xf32>
    %mul3A_491 = arith.mulf %select_n3A_485, %mul3A_490 : vector<64x64x64xf32>
    %reduce_sum3A_492 = arith.constant dense<0.000000e+00> : vector<64x64xf32>
    %reduce_sum3A_493 = vector.multi_reduction <add>, %mul3A_491, %reduce_sum3A_492 [2] : vector<64x64x64xf32> to vector<64x64xf32>
    %jit3A_494 = arith.constant -1.000000e+30 : f32
    %broadcast_in_dim3A_495 = vector.broadcast %jit3A_494 : f32 to vector<64x64xf32>
    %select_n3A_496 = arith.select %or3A, %reduce_sum3A_493, %broadcast_in_dim3A_495 : vector<64x64xi1>, vector<64x64xf32>
    %reduce_max3A_497 = arith.constant dense<0xFF800000> : vector<64xf32>
    %reduce_max3A_498 = vector.multi_reduction <maximumf>, %select_n3A_496, %reduce_max3A_497 [0] : vector<64x64xf32> to vector<64xf32>
    %broadcast_in_dim3A_499 = vector.shape_cast %reduce_max3A_498 : vector<64xf32> to vector<1x64xf32>
    %sub3A_500 = vector.broadcast %broadcast_in_dim3A_499 : vector<1x64xf32> to vector<64x64xf32>
    %sub3A_501 = arith.subf %reduce_sum3A_493, %sub3A_500 : vector<64x64xf32>
    %exp3A_502 = math.exp %sub3A_501 : vector<64x64xf32>
    %jit3A_503 = arith.constant 0.000000e+00 : f32
    %broadcast_in_dim3A_504 = vector.broadcast %jit3A_503 : f32 to vector<64x64xf32>
    %select_n3A_505 = arith.select %or3A, %exp3A_502, %broadcast_in_dim3A_504 : vector<64x64xi1>, vector<64x64xf32>
    %reduce_sum3A_506 = arith.constant dense<0.000000e+00> : vector<64xf32>
    %reduce_sum3A_507 = vector.multi_reduction <add>, %select_n3A_505, %reduce_sum3A_506 [0] : vector<64x64xf32> to vector<64xf32>
    %broadcast_in_dim3A_508 = vector.shape_cast %reduce_sum3A_507 : vector<64xf32> to vector<1x64xf32>
    %add3A_509 = arith.constant 1.000000e-16 : f32
    %add3A_510 = vector.broadcast %add3A_509 : f32 to vector<1x64xf32>
    %add3A_511 = arith.addf %broadcast_in_dim3A_508, %add3A_510 : vector<1x64xf32>
    %div3A_512 = vector.broadcast %add3A_511 : vector<1x64xf32> to vector<64x64xf32>
    %div3A_513 = arith.divf %select_n3A_505, %div3A_512 : vector<64x64xf32>
    %dot_general3A_514 = arith.constant dense<0.000000e+00> : vector<64x64xf32>
    %dot_general3A_515 = tpu.matmul %div3A_513, %slice3A_472, %dot_general3A_514 {dimension_numbers = #tpu.dot_dimension_numbers<[0], [0], [1], [1], [0, 1, 1, 1], [], []>, transpose_lhs_hint = false} : vector<64x64xf32>, vector<64x64xf32>, vector<64x64xf32> -> vector<64x64xf32>
    %add3A_516 = arith.addf %add3A_471, %dot_general3A_515 : vector<64x64xf32>
    %slice3A_517 = vector.extract_strided_slice %add3A_16 {offsets = [0, 704], sizes = [64, 64], strides = [1, 1]} : vector<64x1024xf32> to vector<64x64xf32>
    %slice3A_518 = vector.extract_strided_slice %add3A_26 {offsets = [0, 704], sizes = [64, 64], strides = [1, 1]} : vector<64x1024xf32> to vector<64x64xf32>
    %broadcast_in_dim3A_519 = vector.shape_cast %slice3A_517 : vector<64x64xf32> to vector<64x1x64xf32>
    %broadcast_in_dim3A_520 = vector.shape_cast %slice3A_518 : vector<64x64xf32> to vector<1x64x64xf32>
    %add3A_521 = vector.broadcast %broadcast_in_dim3A_519 : vector<64x1x64xf32> to vector<64x64x64xf32>
    %add3A_522 = vector.broadcast %broadcast_in_dim3A_520 : vector<1x64x64xf32> to vector<64x64x64xf32>
    %add3A_523 = arith.addf %add3A_521, %add3A_522 : vector<64x64x64xf32>
    %ge3A_524 = arith.constant 0.000000e+00 : f32
    %ge3A_525 = vector.broadcast %ge3A_524 : f32 to vector<64x64x64xf32>
    %ge3A_526 = arith.cmpf oge, %add3A_523, %ge3A_525 : vector<64x64x64xf32>
    %mul3A_527 = arith.constant 2.000000e-01 : f32
    %mul3A_528 = vector.broadcast %mul3A_527 : f32 to vector<64x64x64xf32>
    %mul3A_529 = arith.mulf %add3A_523, %mul3A_528 : vector<64x64x64xf32>
    %select_n3A_530 = arith.select %ge3A_526, %add3A_523, %mul3A_529 : vector<64x64x64xi1>, vector<64x64x64xf32>
    %get3A_531 = arith.constant 11 : index
    %get3A_532 = arith.constant 0 : index
    %get3A_533 = vector.load %arg7[%get3A_531, %get3A_532] : memref<16x64xf32, #tpu.memory_space<vmem>>, vector<1x64xf32>
    %broadcast_in_dim3A_534 = vector.shape_cast %get3A_533 : vector<1x64xf32> to vector<1x1x64xf32>
    %mul3A_535 = vector.broadcast %broadcast_in_dim3A_534 : vector<1x1x64xf32> to vector<64x64x64xf32>
    %mul3A_536 = arith.mulf %select_n3A_530, %mul3A_535 : vector<64x64x64xf32>
    %reduce_sum3A_537 = arith.constant dense<0.000000e+00> : vector<64x64xf32>
    %reduce_sum3A_538 = vector.multi_reduction <add>, %mul3A_536, %reduce_sum3A_537 [2] : vector<64x64x64xf32> to vector<64x64xf32>
    %jit3A_539 = arith.constant -1.000000e+30 : f32
    %broadcast_in_dim3A_540 = vector.broadcast %jit3A_539 : f32 to vector<64x64xf32>
    %select_n3A_541 = arith.select %or3A, %reduce_sum3A_538, %broadcast_in_dim3A_540 : vector<64x64xi1>, vector<64x64xf32>
    %reduce_max3A_542 = arith.constant dense<0xFF800000> : vector<64xf32>
    %reduce_max3A_543 = vector.multi_reduction <maximumf>, %select_n3A_541, %reduce_max3A_542 [0] : vector<64x64xf32> to vector<64xf32>
    %broadcast_in_dim3A_544 = vector.shape_cast %reduce_max3A_543 : vector<64xf32> to vector<1x64xf32>
    %sub3A_545 = vector.broadcast %broadcast_in_dim3A_544 : vector<1x64xf32> to vector<64x64xf32>
    %sub3A_546 = arith.subf %reduce_sum3A_538, %sub3A_545 : vector<64x64xf32>
    %exp3A_547 = math.exp %sub3A_546 : vector<64x64xf32>
    %jit3A_548 = arith.constant 0.000000e+00 : f32
    %broadcast_in_dim3A_549 = vector.broadcast %jit3A_548 : f32 to vector<64x64xf32>
    %select_n3A_550 = arith.select %or3A, %exp3A_547, %broadcast_in_dim3A_549 : vector<64x64xi1>, vector<64x64xf32>
    %reduce_sum3A_551 = arith.constant dense<0.000000e+00> : vector<64xf32>
    %reduce_sum3A_552 = vector.multi_reduction <add>, %select_n3A_550, %reduce_sum3A_551 [0] : vector<64x64xf32> to vector<64xf32>
    %broadcast_in_dim3A_553 = vector.shape_cast %reduce_sum3A_552 : vector<64xf32> to vector<1x64xf32>
    %add3A_554 = arith.constant 1.000000e-16 : f32
    %add3A_555 = vector.broadcast %add3A_554 : f32 to vector<1x64xf32>
    %add3A_556 = arith.addf %broadcast_in_dim3A_553, %add3A_555 : vector<1x64xf32>
    %div3A_557 = vector.broadcast %add3A_556 : vector<1x64xf32> to vector<64x64xf32>
    %div3A_558 = arith.divf %select_n3A_550, %div3A_557 : vector<64x64xf32>
    %dot_general3A_559 = arith.constant dense<0.000000e+00> : vector<64x64xf32>
    %dot_general3A_560 = tpu.matmul %div3A_558, %slice3A_517, %dot_general3A_559 {dimension_numbers = #tpu.dot_dimension_numbers<[0], [0], [1], [1], [0, 1, 1, 1], [], []>, transpose_lhs_hint = false} : vector<64x64xf32>, vector<64x64xf32>, vector<64x64xf32> -> vector<64x64xf32>
    %add3A_561 = arith.addf %add3A_516, %dot_general3A_560 : vector<64x64xf32>
    %slice3A_562 = vector.extract_strided_slice %add3A_16 {offsets = [0, 768], sizes = [64, 64], strides = [1, 1]} : vector<64x1024xf32> to vector<64x64xf32>
    %slice3A_563 = vector.extract_strided_slice %add3A_26 {offsets = [0, 768], sizes = [64, 64], strides = [1, 1]} : vector<64x1024xf32> to vector<64x64xf32>
    %broadcast_in_dim3A_564 = vector.shape_cast %slice3A_562 : vector<64x64xf32> to vector<64x1x64xf32>
    %broadcast_in_dim3A_565 = vector.shape_cast %slice3A_563 : vector<64x64xf32> to vector<1x64x64xf32>
    %add3A_566 = vector.broadcast %broadcast_in_dim3A_564 : vector<64x1x64xf32> to vector<64x64x64xf32>
    %add3A_567 = vector.broadcast %broadcast_in_dim3A_565 : vector<1x64x64xf32> to vector<64x64x64xf32>
    %add3A_568 = arith.addf %add3A_566, %add3A_567 : vector<64x64x64xf32>
    %ge3A_569 = arith.constant 0.000000e+00 : f32
    %ge3A_570 = vector.broadcast %ge3A_569 : f32 to vector<64x64x64xf32>
    %ge3A_571 = arith.cmpf oge, %add3A_568, %ge3A_570 : vector<64x64x64xf32>
    %mul3A_572 = arith.constant 2.000000e-01 : f32
    %mul3A_573 = vector.broadcast %mul3A_572 : f32 to vector<64x64x64xf32>
    %mul3A_574 = arith.mulf %add3A_568, %mul3A_573 : vector<64x64x64xf32>
    %select_n3A_575 = arith.select %ge3A_571, %add3A_568, %mul3A_574 : vector<64x64x64xi1>, vector<64x64x64xf32>
    %get3A_576 = arith.constant 12 : index
    %get3A_577 = arith.constant 0 : index
    %get3A_578 = vector.load %arg7[%get3A_576, %get3A_577] : memref<16x64xf32, #tpu.memory_space<vmem>>, vector<1x64xf32>
    %broadcast_in_dim3A_579 = vector.shape_cast %get3A_578 : vector<1x64xf32> to vector<1x1x64xf32>
    %mul3A_580 = vector.broadcast %broadcast_in_dim3A_579 : vector<1x1x64xf32> to vector<64x64x64xf32>
    %mul3A_581 = arith.mulf %select_n3A_575, %mul3A_580 : vector<64x64x64xf32>
    %reduce_sum3A_582 = arith.constant dense<0.000000e+00> : vector<64x64xf32>
    %reduce_sum3A_583 = vector.multi_reduction <add>, %mul3A_581, %reduce_sum3A_582 [2] : vector<64x64x64xf32> to vector<64x64xf32>
    %jit3A_584 = arith.constant -1.000000e+30 : f32
    %broadcast_in_dim3A_585 = vector.broadcast %jit3A_584 : f32 to vector<64x64xf32>
    %select_n3A_586 = arith.select %or3A, %reduce_sum3A_583, %broadcast_in_dim3A_585 : vector<64x64xi1>, vector<64x64xf32>
    %reduce_max3A_587 = arith.constant dense<0xFF800000> : vector<64xf32>
    %reduce_max3A_588 = vector.multi_reduction <maximumf>, %select_n3A_586, %reduce_max3A_587 [0] : vector<64x64xf32> to vector<64xf32>
    %broadcast_in_dim3A_589 = vector.shape_cast %reduce_max3A_588 : vector<64xf32> to vector<1x64xf32>
    %sub3A_590 = vector.broadcast %broadcast_in_dim3A_589 : vector<1x64xf32> to vector<64x64xf32>
    %sub3A_591 = arith.subf %reduce_sum3A_583, %sub3A_590 : vector<64x64xf32>
    %exp3A_592 = math.exp %sub3A_591 : vector<64x64xf32>
    %jit3A_593 = arith.constant 0.000000e+00 : f32
    %broadcast_in_dim3A_594 = vector.broadcast %jit3A_593 : f32 to vector<64x64xf32>
    %select_n3A_595 = arith.select %or3A, %exp3A_592, %broadcast_in_dim3A_594 : vector<64x64xi1>, vector<64x64xf32>
    %reduce_sum3A_596 = arith.constant dense<0.000000e+00> : vector<64xf32>
    %reduce_sum3A_597 = vector.multi_reduction <add>, %select_n3A_595, %reduce_sum3A_596 [0] : vector<64x64xf32> to vector<64xf32>
    %broadcast_in_dim3A_598 = vector.shape_cast %reduce_sum3A_597 : vector<64xf32> to vector<1x64xf32>
    %add3A_599 = arith.constant 1.000000e-16 : f32
    %add3A_600 = vector.broadcast %add3A_599 : f32 to vector<1x64xf32>
    %add3A_601 = arith.addf %broadcast_in_dim3A_598, %add3A_600 : vector<1x64xf32>
    %div3A_602 = vector.broadcast %add3A_601 : vector<1x64xf32> to vector<64x64xf32>
    %div3A_603 = arith.divf %select_n3A_595, %div3A_602 : vector<64x64xf32>
    %dot_general3A_604 = arith.constant dense<0.000000e+00> : vector<64x64xf32>
    %dot_general3A_605 = tpu.matmul %div3A_603, %slice3A_562, %dot_general3A_604 {dimension_numbers = #tpu.dot_dimension_numbers<[0], [0], [1], [1], [0, 1, 1, 1], [], []>, transpose_lhs_hint = false} : vector<64x64xf32>, vector<64x64xf32>, vector<64x64xf32> -> vector<64x64xf32>
    %add3A_606 = arith.addf %add3A_561, %dot_general3A_605 : vector<64x64xf32>
    %slice3A_607 = vector.extract_strided_slice %add3A_16 {offsets = [0, 832], sizes = [64, 64], strides = [1, 1]} : vector<64x1024xf32> to vector<64x64xf32>
    %slice3A_608 = vector.extract_strided_slice %add3A_26 {offsets = [0, 832], sizes = [64, 64], strides = [1, 1]} : vector<64x1024xf32> to vector<64x64xf32>
    %broadcast_in_dim3A_609 = vector.shape_cast %slice3A_607 : vector<64x64xf32> to vector<64x1x64xf32>
    %broadcast_in_dim3A_610 = vector.shape_cast %slice3A_608 : vector<64x64xf32> to vector<1x64x64xf32>
    %add3A_611 = vector.broadcast %broadcast_in_dim3A_609 : vector<64x1x64xf32> to vector<64x64x64xf32>
    %add3A_612 = vector.broadcast %broadcast_in_dim3A_610 : vector<1x64x64xf32> to vector<64x64x64xf32>
    %add3A_613 = arith.addf %add3A_611, %add3A_612 : vector<64x64x64xf32>
    %ge3A_614 = arith.constant 0.000000e+00 : f32
    %ge3A_615 = vector.broadcast %ge3A_614 : f32 to vector<64x64x64xf32>
    %ge3A_616 = arith.cmpf oge, %add3A_613, %ge3A_615 : vector<64x64x64xf32>
    %mul3A_617 = arith.constant 2.000000e-01 : f32
    %mul3A_618 = vector.broadcast %mul3A_617 : f32 to vector<64x64x64xf32>
    %mul3A_619 = arith.mulf %add3A_613, %mul3A_618 : vector<64x64x64xf32>
    %select_n3A_620 = arith.select %ge3A_616, %add3A_613, %mul3A_619 : vector<64x64x64xi1>, vector<64x64x64xf32>
    %get3A_621 = arith.constant 13 : index
    %get3A_622 = arith.constant 0 : index
    %get3A_623 = vector.load %arg7[%get3A_621, %get3A_622] : memref<16x64xf32, #tpu.memory_space<vmem>>, vector<1x64xf32>
    %broadcast_in_dim3A_624 = vector.shape_cast %get3A_623 : vector<1x64xf32> to vector<1x1x64xf32>
    %mul3A_625 = vector.broadcast %broadcast_in_dim3A_624 : vector<1x1x64xf32> to vector<64x64x64xf32>
    %mul3A_626 = arith.mulf %select_n3A_620, %mul3A_625 : vector<64x64x64xf32>
    %reduce_sum3A_627 = arith.constant dense<0.000000e+00> : vector<64x64xf32>
    %reduce_sum3A_628 = vector.multi_reduction <add>, %mul3A_626, %reduce_sum3A_627 [2] : vector<64x64x64xf32> to vector<64x64xf32>
    %jit3A_629 = arith.constant -1.000000e+30 : f32
    %broadcast_in_dim3A_630 = vector.broadcast %jit3A_629 : f32 to vector<64x64xf32>
    %select_n3A_631 = arith.select %or3A, %reduce_sum3A_628, %broadcast_in_dim3A_630 : vector<64x64xi1>, vector<64x64xf32>
    %reduce_max3A_632 = arith.constant dense<0xFF800000> : vector<64xf32>
    %reduce_max3A_633 = vector.multi_reduction <maximumf>, %select_n3A_631, %reduce_max3A_632 [0] : vector<64x64xf32> to vector<64xf32>
    %broadcast_in_dim3A_634 = vector.shape_cast %reduce_max3A_633 : vector<64xf32> to vector<1x64xf32>
    %sub3A_635 = vector.broadcast %broadcast_in_dim3A_634 : vector<1x64xf32> to vector<64x64xf32>
    %sub3A_636 = arith.subf %reduce_sum3A_628, %sub3A_635 : vector<64x64xf32>
    %exp3A_637 = math.exp %sub3A_636 : vector<64x64xf32>
    %jit3A_638 = arith.constant 0.000000e+00 : f32
    %broadcast_in_dim3A_639 = vector.broadcast %jit3A_638 : f32 to vector<64x64xf32>
    %select_n3A_640 = arith.select %or3A, %exp3A_637, %broadcast_in_dim3A_639 : vector<64x64xi1>, vector<64x64xf32>
    %reduce_sum3A_641 = arith.constant dense<0.000000e+00> : vector<64xf32>
    %reduce_sum3A_642 = vector.multi_reduction <add>, %select_n3A_640, %reduce_sum3A_641 [0] : vector<64x64xf32> to vector<64xf32>
    %broadcast_in_dim3A_643 = vector.shape_cast %reduce_sum3A_642 : vector<64xf32> to vector<1x64xf32>
    %add3A_644 = arith.constant 1.000000e-16 : f32
    %add3A_645 = vector.broadcast %add3A_644 : f32 to vector<1x64xf32>
    %add3A_646 = arith.addf %broadcast_in_dim3A_643, %add3A_645 : vector<1x64xf32>
    %div3A_647 = vector.broadcast %add3A_646 : vector<1x64xf32> to vector<64x64xf32>
    %div3A_648 = arith.divf %select_n3A_640, %div3A_647 : vector<64x64xf32>
    %dot_general3A_649 = arith.constant dense<0.000000e+00> : vector<64x64xf32>
    %dot_general3A_650 = tpu.matmul %div3A_648, %slice3A_607, %dot_general3A_649 {dimension_numbers = #tpu.dot_dimension_numbers<[0], [0], [1], [1], [0, 1, 1, 1], [], []>, transpose_lhs_hint = false} : vector<64x64xf32>, vector<64x64xf32>, vector<64x64xf32> -> vector<64x64xf32>
    %add3A_651 = arith.addf %add3A_606, %dot_general3A_650 : vector<64x64xf32>
    %slice3A_652 = vector.extract_strided_slice %add3A_16 {offsets = [0, 896], sizes = [64, 64], strides = [1, 1]} : vector<64x1024xf32> to vector<64x64xf32>
    %slice3A_653 = vector.extract_strided_slice %add3A_26 {offsets = [0, 896], sizes = [64, 64], strides = [1, 1]} : vector<64x1024xf32> to vector<64x64xf32>
    %broadcast_in_dim3A_654 = vector.shape_cast %slice3A_652 : vector<64x64xf32> to vector<64x1x64xf32>
    %broadcast_in_dim3A_655 = vector.shape_cast %slice3A_653 : vector<64x64xf32> to vector<1x64x64xf32>
    %add3A_656 = vector.broadcast %broadcast_in_dim3A_654 : vector<64x1x64xf32> to vector<64x64x64xf32>
    %add3A_657 = vector.broadcast %broadcast_in_dim3A_655 : vector<1x64x64xf32> to vector<64x64x64xf32>
    %add3A_658 = arith.addf %add3A_656, %add3A_657 : vector<64x64x64xf32>
    %ge3A_659 = arith.constant 0.000000e+00 : f32
    %ge3A_660 = vector.broadcast %ge3A_659 : f32 to vector<64x64x64xf32>
    %ge3A_661 = arith.cmpf oge, %add3A_658, %ge3A_660 : vector<64x64x64xf32>
    %mul3A_662 = arith.constant 2.000000e-01 : f32
    %mul3A_663 = vector.broadcast %mul3A_662 : f32 to vector<64x64x64xf32>
    %mul3A_664 = arith.mulf %add3A_658, %mul3A_663 : vector<64x64x64xf32>
    %select_n3A_665 = arith.select %ge3A_661, %add3A_658, %mul3A_664 : vector<64x64x64xi1>, vector<64x64x64xf32>
    %get3A_666 = arith.constant 14 : index
    %get3A_667 = arith.constant 0 : index
    %get3A_668 = vector.load %arg7[%get3A_666, %get3A_667] : memref<16x64xf32, #tpu.memory_space<vmem>>, vector<1x64xf32>
    %broadcast_in_dim3A_669 = vector.shape_cast %get3A_668 : vector<1x64xf32> to vector<1x1x64xf32>
    %mul3A_670 = vector.broadcast %broadcast_in_dim3A_669 : vector<1x1x64xf32> to vector<64x64x64xf32>
    %mul3A_671 = arith.mulf %select_n3A_665, %mul3A_670 : vector<64x64x64xf32>
    %reduce_sum3A_672 = arith.constant dense<0.000000e+00> : vector<64x64xf32>
    %reduce_sum3A_673 = vector.multi_reduction <add>, %mul3A_671, %reduce_sum3A_672 [2] : vector<64x64x64xf32> to vector<64x64xf32>
    %jit3A_674 = arith.constant -1.000000e+30 : f32
    %broadcast_in_dim3A_675 = vector.broadcast %jit3A_674 : f32 to vector<64x64xf32>
    %select_n3A_676 = arith.select %or3A, %reduce_sum3A_673, %broadcast_in_dim3A_675 : vector<64x64xi1>, vector<64x64xf32>
    %reduce_max3A_677 = arith.constant dense<0xFF800000> : vector<64xf32>
    %reduce_max3A_678 = vector.multi_reduction <maximumf>, %select_n3A_676, %reduce_max3A_677 [0] : vector<64x64xf32> to vector<64xf32>
    %broadcast_in_dim3A_679 = vector.shape_cast %reduce_max3A_678 : vector<64xf32> to vector<1x64xf32>
    %sub3A_680 = vector.broadcast %broadcast_in_dim3A_679 : vector<1x64xf32> to vector<64x64xf32>
    %sub3A_681 = arith.subf %reduce_sum3A_673, %sub3A_680 : vector<64x64xf32>
    %exp3A_682 = math.exp %sub3A_681 : vector<64x64xf32>
    %jit3A_683 = arith.constant 0.000000e+00 : f32
    %broadcast_in_dim3A_684 = vector.broadcast %jit3A_683 : f32 to vector<64x64xf32>
    %select_n3A_685 = arith.select %or3A, %exp3A_682, %broadcast_in_dim3A_684 : vector<64x64xi1>, vector<64x64xf32>
    %reduce_sum3A_686 = arith.constant dense<0.000000e+00> : vector<64xf32>
    %reduce_sum3A_687 = vector.multi_reduction <add>, %select_n3A_685, %reduce_sum3A_686 [0] : vector<64x64xf32> to vector<64xf32>
    %broadcast_in_dim3A_688 = vector.shape_cast %reduce_sum3A_687 : vector<64xf32> to vector<1x64xf32>
    %add3A_689 = arith.constant 1.000000e-16 : f32
    %add3A_690 = vector.broadcast %add3A_689 : f32 to vector<1x64xf32>
    %add3A_691 = arith.addf %broadcast_in_dim3A_688, %add3A_690 : vector<1x64xf32>
    %div3A_692 = vector.broadcast %add3A_691 : vector<1x64xf32> to vector<64x64xf32>
    %div3A_693 = arith.divf %select_n3A_685, %div3A_692 : vector<64x64xf32>
    %dot_general3A_694 = arith.constant dense<0.000000e+00> : vector<64x64xf32>
    %dot_general3A_695 = tpu.matmul %div3A_693, %slice3A_652, %dot_general3A_694 {dimension_numbers = #tpu.dot_dimension_numbers<[0], [0], [1], [1], [0, 1, 1, 1], [], []>, transpose_lhs_hint = false} : vector<64x64xf32>, vector<64x64xf32>, vector<64x64xf32> -> vector<64x64xf32>
    %add3A_696 = arith.addf %add3A_651, %dot_general3A_695 : vector<64x64xf32>
    %slice3A_697 = vector.extract_strided_slice %add3A_16 {offsets = [0, 960], sizes = [64, 64], strides = [1, 1]} : vector<64x1024xf32> to vector<64x64xf32>
    %slice3A_698 = vector.extract_strided_slice %add3A_26 {offsets = [0, 960], sizes = [64, 64], strides = [1, 1]} : vector<64x1024xf32> to vector<64x64xf32>
    %broadcast_in_dim3A_699 = vector.shape_cast %slice3A_697 : vector<64x64xf32> to vector<64x1x64xf32>
    %broadcast_in_dim3A_700 = vector.shape_cast %slice3A_698 : vector<64x64xf32> to vector<1x64x64xf32>
    %add3A_701 = vector.broadcast %broadcast_in_dim3A_699 : vector<64x1x64xf32> to vector<64x64x64xf32>
    %add3A_702 = vector.broadcast %broadcast_in_dim3A_700 : vector<1x64x64xf32> to vector<64x64x64xf32>
    %add3A_703 = arith.addf %add3A_701, %add3A_702 : vector<64x64x64xf32>
    %ge3A_704 = arith.constant 0.000000e+00 : f32
    %ge3A_705 = vector.broadcast %ge3A_704 : f32 to vector<64x64x64xf32>
    %ge3A_706 = arith.cmpf oge, %add3A_703, %ge3A_705 : vector<64x64x64xf32>
    %mul3A_707 = arith.constant 2.000000e-01 : f32
    %mul3A_708 = vector.broadcast %mul3A_707 : f32 to vector<64x64x64xf32>
    %mul3A_709 = arith.mulf %add3A_703, %mul3A_708 : vector<64x64x64xf32>
    %select_n3A_710 = arith.select %ge3A_706, %add3A_703, %mul3A_709 : vector<64x64x64xi1>, vector<64x64x64xf32>
    %get3A_711 = arith.constant 15 : index
    %get3A_712 = arith.constant 0 : index
    %get3A_713 = vector.load %arg7[%get3A_711, %get3A_712] : memref<16x64xf32, #tpu.memory_space<vmem>>, vector<1x64xf32>
    %broadcast_in_dim3A_714 = vector.shape_cast %get3A_713 : vector<1x64xf32> to vector<1x1x64xf32>
    %mul3A_715 = vector.broadcast %broadcast_in_dim3A_714 : vector<1x1x64xf32> to vector<64x64x64xf32>
    %mul3A_716 = arith.mulf %select_n3A_710, %mul3A_715 : vector<64x64x64xf32>
    %reduce_sum3A_717 = arith.constant dense<0.000000e+00> : vector<64x64xf32>
    %reduce_sum3A_718 = vector.multi_reduction <add>, %mul3A_716, %reduce_sum3A_717 [2] : vector<64x64x64xf32> to vector<64x64xf32>
    %jit3A_719 = arith.constant -1.000000e+30 : f32
    %broadcast_in_dim3A_720 = vector.broadcast %jit3A_719 : f32 to vector<64x64xf32>
    %select_n3A_721 = arith.select %or3A, %reduce_sum3A_718, %broadcast_in_dim3A_720 : vector<64x64xi1>, vector<64x64xf32>
    %reduce_max3A_722 = arith.constant dense<0xFF800000> : vector<64xf32>
    %reduce_max3A_723 = vector.multi_reduction <maximumf>, %select_n3A_721, %reduce_max3A_722 [0] : vector<64x64xf32> to vector<64xf32>
    %broadcast_in_dim3A_724 = vector.shape_cast %reduce_max3A_723 : vector<64xf32> to vector<1x64xf32>
    %sub3A_725 = vector.broadcast %broadcast_in_dim3A_724 : vector<1x64xf32> to vector<64x64xf32>
    %sub3A_726 = arith.subf %reduce_sum3A_718, %sub3A_725 : vector<64x64xf32>
    %exp3A_727 = math.exp %sub3A_726 : vector<64x64xf32>
    %jit3A_728 = arith.constant 0.000000e+00 : f32
    %broadcast_in_dim3A_729 = vector.broadcast %jit3A_728 : f32 to vector<64x64xf32>
    %select_n3A_730 = arith.select %or3A, %exp3A_727, %broadcast_in_dim3A_729 : vector<64x64xi1>, vector<64x64xf32>
    %reduce_sum3A_731 = arith.constant dense<0.000000e+00> : vector<64xf32>
    %reduce_sum3A_732 = vector.multi_reduction <add>, %select_n3A_730, %reduce_sum3A_731 [0] : vector<64x64xf32> to vector<64xf32>
    %broadcast_in_dim3A_733 = vector.shape_cast %reduce_sum3A_732 : vector<64xf32> to vector<1x64xf32>
    %add3A_734 = arith.constant 1.000000e-16 : f32
    %add3A_735 = vector.broadcast %add3A_734 : f32 to vector<1x64xf32>
    %add3A_736 = arith.addf %broadcast_in_dim3A_733, %add3A_735 : vector<1x64xf32>
    %div3A_737 = vector.broadcast %add3A_736 : vector<1x64xf32> to vector<64x64xf32>
    %div3A_738 = arith.divf %select_n3A_730, %div3A_737 : vector<64x64xf32>
    %dot_general3A_739 = arith.constant dense<0.000000e+00> : vector<64x64xf32>
    %dot_general3A_740 = tpu.matmul %div3A_738, %slice3A_697, %dot_general3A_739 {dimension_numbers = #tpu.dot_dimension_numbers<[0], [0], [1], [1], [0, 1, 1, 1], [], []>, transpose_lhs_hint = false} : vector<64x64xf32>, vector<64x64xf32>, vector<64x64xf32> -> vector<64x64xf32>
    %add3A_741 = arith.addf %add3A_696, %dot_general3A_740 : vector<64x64xf32>
    %mul3A_742 = arith.constant 6.250000e-02 : f32
    %mul3A_743 = vector.broadcast %mul3A_742 : f32 to vector<64x64xf32>
    %mul3A_744 = arith.mulf %add3A_741, %mul3A_743 : vector<64x64xf32>
    %get3A_745 = arith.constant 0 : index
    %get3A_746 = arith.constant 0 : index
    %get3A_747 = vector.load %arg8[%get3A_745, %get3A_746] : memref<1x64xf32, #tpu.memory_space<vmem>>, vector<1x64xf32>
    %add3A_748 = vector.broadcast %get3A_747 : vector<1x64xf32> to vector<64x64xf32>
    %add3A_749 = arith.addf %mul3A_744, %add3A_748 : vector<64x64xf32>
    %ge3A_750 = arith.constant 0.000000e+00 : f32
    %ge3A_751 = vector.broadcast %ge3A_750 : f32 to vector<64x64xf32>
    %ge3A_752 = arith.cmpf oge, %add3A_749, %ge3A_751 : vector<64x64xf32>
    %mul3A_753 = arith.constant 0.00999999977 : f32
    %mul3A_754 = vector.broadcast %mul3A_753 : f32 to vector<64x64xf32>
    %mul3A_755 = arith.mulf %add3A_749, %mul3A_754 : vector<64x64xf32>
    %select_n3A_756 = arith.select %ge3A_752, %add3A_749, %mul3A_755 : vector<64x64xi1>, vector<64x64xf32>
    %swap3A = arith.constant 0 : index
    %swap3A_757 = arith.constant 0 : index
    %swap3A_758 = arith.constant 0 : index
    %swap3A_759 = vector.load %arg9[%swap3A, %swap3A_757, %swap3A_758] : memref<1x64x64xf32, #tpu.memory_space<vmem>>, vector<1x64x64xf32>
    %swap3A_760 = vector.shape_cast %swap3A_759 : vector<1x64x64xf32> to vector<64x64xf32>
    %swap3A_761 = vector.shape_cast %select_n3A_756 : vector<64x64xf32> to vector<1x64x64xf32>
    tpu.vector_store %arg9[%swap3A, %swap3A_757, %swap3A_758], %swap3A_761 {strides = array<i32>} : memref<1x64x64xf32, #tpu.memory_space<vmem>>, vector<1x64x64xf32>,
    return
  }
  func.func @transform_0(%arg0: i32) -> (i32, i32, i32) {
    %c0_i32 = arith.constant 0 : i32
    %c0_i32_0 = arith.constant 0 : i32
    %c0_i32_1 = arith.constant 0 : i32
    return %arg0, %c0_i32, %c0_i32_0 : i32, i32, i32
  }
  func.func @transform_1(%arg0: i32) -> (i32, i32, i32) {
    %c0_i32 = arith.constant 0 : i32
    %c0_i32_0 = arith.constant 0 : i32
    %c0_i32_1 = arith.constant 0 : i32
    return %arg0, %c0_i32, %c0_i32_0 : i32, i32, i32
  }
  func.func @transform_2(%arg0: i32) -> (i32, i32) {
    %c0_i32 = arith.constant 0 : i32
    %c0_i32_0 = arith.constant 0 : i32
    %c0_i32_1 = arith.constant 0 : i32
    return %c0_i32, %c0_i32_0 : i32, i32
  }
  func.func @transform_3(%arg0: i32) -> (i32, i32) {
    %c0_i32 = arith.constant 0 : i32
    %c0_i32_0 = arith.constant 0 : i32
    %c0_i32_1 = arith.constant 0 : i32
    return %c0_i32, %c0_i32_0 : i32, i32
  }
  func.func @transform_4(%arg0: i32) -> (i32, i32) {
    %c0_i32 = arith.constant 0 : i32
    %c0_i32_0 = arith.constant 0 : i32
    %c0_i32_1 = arith.constant 0 : i32
    return %c0_i32, %c0_i32_0 : i32, i32
  }
  func.func @transform_5(%arg0: i32) -> (i32, i32) {
    %c0_i32 = arith.constant 0 : i32
    %c0_i32_0 = arith.constant 0 : i32
    %c0_i32_1 = arith.constant 0 : i32
    return %c0_i32, %c0_i32_0 : i32, i32
  }
  func.func @transform_6(%arg0: i32) -> (i32, i32) {
    %c0_i32 = arith.constant 0 : i32
    %c0_i32_0 = arith.constant 0 : i32
    %c0_i32_1 = arith.constant 0 : i32
    return %c0_i32, %c0_i32_0 : i32, i32
  }
  func.func @transform_7(%arg0: i32) -> (i32, i32) {
    %c0_i32 = arith.constant 0 : i32
    %c0_i32_0 = arith.constant 0 : i32
    %c0_i32_1 = arith.constant 0 : i32
    return %c0_i32, %c0_i32_0 : i32, i32
  }
  func.func @transform_8(%arg0: i32) -> (i32, i32, i32) {
    %c0_i32 = arith.constant 0 : i32
    %c0_i32_0 = arith.constant 0 : i32
    %c0_i32_1 = arith.constant 0 : i32
    return %arg0, %c0_i32, %c0_i32_0 : i32, i32, i32
  }
}

module attributes {stable_mosaic.version = 14 : i64} {
  func.func @_final_body(%arg0: i32, %arg1: memref<1x64x64xf32, #tpu.memory_space<vmem>>, %arg2: memref<1x64x64xf32, #tpu.memory_space<vmem>>, %arg3: memref<1x10x64xf32, #tpu.memory_space<vmem>>, %arg4: memref<1x64x1xf32, #tpu.memory_space<vmem>>, %arg5: memref<1x64x1xf32, #tpu.memory_space<vmem>>, %arg6: memref<1x1x1xf32, #tpu.memory_space<vmem>>, %arg7: memref<1x1x1xf32, #tpu.memory_space<vmem>>, %arg8: memref<64x64xf32, #tpu.memory_space<vmem>>, %arg9: memref<1x64xf32, #tpu.memory_space<vmem>>, %arg10: memref<64x64xf32, #tpu.memory_space<vmem>>, %arg11: memref<1x64xf32, #tpu.memory_space<vmem>>, %arg12: memref<64x64xf32, #tpu.memory_space<vmem>>, %arg13: memref<64x64xf32, #tpu.memory_space<vmem>>, %arg14: memref<1x64xf32, #tpu.memory_space<vmem>>, %arg15: memref<64x64xf32, #tpu.memory_space<vmem>>, %arg16: memref<1x64xf32, #tpu.memory_space<vmem>>, %arg17: memref<64x64xf32, #tpu.memory_space<vmem>>, %arg18: memref<1x64xf32, #tpu.memory_space<vmem>>, %arg19: memref<64x64xf32, #tpu.memory_space<vmem>>, %arg20: memref<64x64xf32, #tpu.memory_space<vmem>>, %arg21: memref<1x64xf32, #tpu.memory_space<vmem>>, %arg22: memref<192x3xf32, #tpu.memory_space<vmem>>, %arg23: memref<1x3xf32, #tpu.memory_space<vmem>>, %arg24: memref<1x1x3xf32, #tpu.memory_space<vmem>>) attributes {dimension_semantics = [#tpu.dimension_semantics<arbitrary>], iteration_bounds = array<i64: 16>, scalar_prefetch = 0 : i64, scratch_operands = 0 : i64, tpu.core_type = #tpu.core_type<tc>, window_params = [{transform_indices = @transform_0, window_bounds = array<i64: 1, 64, 64>}, {transform_indices = @transform_1, window_bounds = array<i64: 1, 64, 64>}, {transform_indices = @transform_2, window_bounds = array<i64: 1, 10, 64>}, {transform_indices = @transform_3, window_bounds = array<i64: 1, 64, 1>}, {transform_indices = @transform_4, window_bounds = array<i64: 1, 64, 1>}, {transform_indices = @transform_5, window_bounds = array<i64: 1, 1, 1>}, {transform_indices = @transform_6, window_bounds = array<i64: 1, 1, 1>}, {pipeline_mode = #tpu.pipeline_mode<synchronous>, transform_indices = @transform_7, window_bounds = array<i64: 64, 64>}, {pipeline_mode = #tpu.pipeline_mode<synchronous>, transform_indices = @transform_8, window_bounds = array<i64: 1, 64>}, {pipeline_mode = #tpu.pipeline_mode<synchronous>, transform_indices = @transform_9, window_bounds = array<i64: 64, 64>}, {pipeline_mode = #tpu.pipeline_mode<synchronous>, transform_indices = @transform_10, window_bounds = array<i64: 1, 64>}, {pipeline_mode = #tpu.pipeline_mode<synchronous>, transform_indices = @transform_11, window_bounds = array<i64: 64, 64>}, {pipeline_mode = #tpu.pipeline_mode<synchronous>, transform_indices = @transform_12, window_bounds = array<i64: 64, 64>}, {pipeline_mode = #tpu.pipeline_mode<synchronous>, transform_indices = @transform_13, window_bounds = array<i64: 1, 64>}, {pipeline_mode = #tpu.pipeline_mode<synchronous>, transform_indices = @transform_14, window_bounds = array<i64: 64, 64>}, {pipeline_mode = #tpu.pipeline_mode<synchronous>, transform_indices = @transform_15, window_bounds = array<i64: 1, 64>}, {pipeline_mode = #tpu.pipeline_mode<synchronous>, transform_indices = @transform_16, window_bounds = array<i64: 64, 64>}, {pipeline_mode = #tpu.pipeline_mode<synchronous>, transform_indices = @transform_17, window_bounds = array<i64: 1, 64>}, {pipeline_mode = #tpu.pipeline_mode<synchronous>, transform_indices = @transform_18, window_bounds = array<i64: 64, 64>}, {pipeline_mode = #tpu.pipeline_mode<synchronous>, transform_indices = @transform_19, window_bounds = array<i64: 64, 64>}, {pipeline_mode = #tpu.pipeline_mode<synchronous>, transform_indices = @transform_20, window_bounds = array<i64: 1, 64>}, {pipeline_mode = #tpu.pipeline_mode<synchronous>, transform_indices = @transform_21, window_bounds = array<i64: 192, 3>}, {pipeline_mode = #tpu.pipeline_mode<synchronous>, transform_indices = @transform_22, window_bounds = array<i64: 1, 3>}, {transform_indices = @transform_23, window_bounds = array<i64: 1, 1, 3>}]} {
    %iota3A = tpu.iota {dimensions = array<i32: 0>} : vector<64x32xi32>
    %iota3A_0 = tpu.iota {dimensions = array<i32: 1>} : vector<64x32xi32>
    %jit3A = arith.constant 2 : i32
    %div3A = vector.broadcast %jit3A : i32 to vector<64x32xi32>
    %div3A_1 = arith.divsi %iota3A, %div3A : vector<64x32xi32>
    %sign3A = arith.constant 0 : i32
    %sign3A_2 = vector.broadcast %sign3A : i32 to vector<64x32xi32>
    %sign3A_3 = arith.cmpi sgt, %iota3A, %sign3A_2 : vector<64x32xi32>
    %sign3A_4 = arith.extui %sign3A_3 : vector<64x32xi1> to vector<64x32xi32>
    %sign3A_5 = arith.constant 0 : i32
    %sign3A_6 = vector.broadcast %sign3A_5 : i32 to vector<64x32xi32>
    %sign3A_7 = arith.cmpi slt, %iota3A, %sign3A_6 : vector<64x32xi32>
    %sign3A_8 = arith.extui %sign3A_7 : vector<64x32xi1> to vector<64x32xi32>
    %sign3A_9 = arith.subi %sign3A_4, %sign3A_8 : vector<64x32xi32>
    %sign3A_10 = arith.constant 0 : i32
    %sign3A_11 = arith.cmpi sgt, %jit3A, %sign3A_10 : i32
    %sign3A_12 = arith.extui %sign3A_11 : i1 to i32
    %sign3A_13 = arith.constant 0 : i32
    %sign3A_14 = arith.cmpi slt, %jit3A, %sign3A_13 : i32
    %sign3A_15 = arith.extui %sign3A_14 : i1 to i32
    %sign3A_16 = arith.subi %sign3A_12, %sign3A_15 : i32
    %ne3A = vector.broadcast %sign3A_16 : i32 to vector<64x32xi32>
    %ne3A_17 = arith.cmpi ne, %sign3A_9, %ne3A : vector<64x32xi32>
    %rem3A = vector.broadcast %jit3A : i32 to vector<64x32xi32>
    %rem3A_18 = arith.remsi %iota3A, %rem3A : vector<64x32xi32>
    %ne3A_19 = arith.constant 0 : i32
    %ne3A_20 = vector.broadcast %ne3A_19 : i32 to vector<64x32xi32>
    %ne3A_21 = arith.cmpi ne, %rem3A_18, %ne3A_20 : vector<64x32xi32>
    %and3A = arith.andi %ne3A_17, %ne3A_21 : vector<64x32xi1>
    %sub3A = arith.constant 1 : i32
    %sub3A_22 = vector.broadcast %sub3A : i32 to vector<64x32xi32>
    %sub3A_23 = arith.subi %div3A_1, %sub3A_22 : vector<64x32xi32>
    %select_n3A = arith.select %and3A, %sub3A_23, %div3A_1 : vector<64x32xi1>, vector<64x32xi32>
    %eq3A = arith.cmpi eq, %select_n3A, %iota3A_0 : vector<64x32xi32>
    %convert_element_type3A = arith.extui %eq3A : vector<64x32xi1> to vector<64x32xi32>
    %convert_element_type3A_24 = arith.sitofp %convert_element_type3A : vector<64x32xi32> to vector<64x32xf32>
    %iota3A_25 = tpu.iota {dimensions = array<i32: 0>} : vector<32x64xi32>
    %iota3A_26 = tpu.iota {dimensions = array<i32: 1>} : vector<32x64xi32>
    %jit3A_27 = arith.constant 2 : i32
    %div3A_28 = vector.broadcast %jit3A_27 : i32 to vector<32x64xi32>
    %div3A_29 = arith.divsi %iota3A_26, %div3A_28 : vector<32x64xi32>
    %sign3A_30 = arith.constant 0 : i32
    %sign3A_31 = vector.broadcast %sign3A_30 : i32 to vector<32x64xi32>
    %sign3A_32 = arith.cmpi sgt, %iota3A_26, %sign3A_31 : vector<32x64xi32>
    %sign3A_33 = arith.extui %sign3A_32 : vector<32x64xi1> to vector<32x64xi32>
    %sign3A_34 = arith.constant 0 : i32
    %sign3A_35 = vector.broadcast %sign3A_34 : i32 to vector<32x64xi32>
    %sign3A_36 = arith.cmpi slt, %iota3A_26, %sign3A_35 : vector<32x64xi32>
    %sign3A_37 = arith.extui %sign3A_36 : vector<32x64xi1> to vector<32x64xi32>
    %sign3A_38 = arith.subi %sign3A_33, %sign3A_37 : vector<32x64xi32>
    %sign3A_39 = arith.constant 0 : i32
    %sign3A_40 = arith.cmpi sgt, %jit3A_27, %sign3A_39 : i32
    %sign3A_41 = arith.extui %sign3A_40 : i1 to i32
    %sign3A_42 = arith.constant 0 : i32
    %sign3A_43 = arith.cmpi slt, %jit3A_27, %sign3A_42 : i32
    %sign3A_44 = arith.extui %sign3A_43 : i1 to i32
    %sign3A_45 = arith.subi %sign3A_41, %sign3A_44 : i32
    %ne3A_46 = vector.broadcast %sign3A_45 : i32 to vector<32x64xi32>
    %ne3A_47 = arith.cmpi ne, %sign3A_38, %ne3A_46 : vector<32x64xi32>
    %rem3A_48 = vector.broadcast %jit3A_27 : i32 to vector<32x64xi32>
    %rem3A_49 = arith.remsi %iota3A_26, %rem3A_48 : vector<32x64xi32>
    %ne3A_50 = arith.constant 0 : i32
    %ne3A_51 = vector.broadcast %ne3A_50 : i32 to vector<32x64xi32>
    %ne3A_52 = arith.cmpi ne, %rem3A_49, %ne3A_51 : vector<32x64xi32>
    %and3A_53 = arith.andi %ne3A_47, %ne3A_52 : vector<32x64xi1>
    %sub3A_54 = arith.constant 1 : i32
    %sub3A_55 = vector.broadcast %sub3A_54 : i32 to vector<32x64xi32>
    %sub3A_56 = arith.subi %div3A_29, %sub3A_55 : vector<32x64xi32>
    %select_n3A_57 = arith.select %and3A_53, %sub3A_56, %div3A_29 : vector<32x64xi1>, vector<32x64xi32>
    %eq3A_58 = arith.cmpi eq, %select_n3A_57, %iota3A_25 : vector<32x64xi32>
    %convert_element_type3A_59 = arith.extui %eq3A_58 : vector<32x64xi1> to vector<32x64xi32>
    %convert_element_type3A_60 = arith.sitofp %convert_element_type3A_59 : vector<32x64xi32> to vector<32x64xf32>
    %get3A = arith.constant 0 : index
    %get3A_61 = arith.constant 0 : index
    %get3A_62 = arith.constant 0 : index
    %get3A_63 = vector.load %arg1[%get3A, %get3A_61, %get3A_62] : memref<1x64x64xf32, #tpu.memory_space<vmem>>, vector<1x64x64xf32>
    %get3A_64 = vector.shape_cast %get3A_63 : vector<1x64x64xf32> to vector<64x64xf32>
    %get3A_65 = arith.constant 0 : index
    %get3A_66 = arith.constant 0 : index
    %get3A_67 = arith.constant 0 : index
    %get3A_68 = vector.load %arg2[%get3A_65, %get3A_66, %get3A_67] : memref<1x64x64xf32, #tpu.memory_space<vmem>>, vector<1x64x64xf32>
    %get3A_69 = vector.shape_cast %get3A_68 : vector<1x64x64xf32> to vector<64x64xf32>
    %get3A_70 = arith.constant 0 : index
    %get3A_71 = arith.constant 0 : index
    %get3A_72 = arith.constant 0 : index
    %get3A_73 = vector.load %arg3[%get3A_70, %get3A_71, %get3A_72] : memref<1x10x64xf32, #tpu.memory_space<vmem>>, vector<1x10x64xf32>
    %get3A_74 = vector.shape_cast %get3A_73 : vector<1x10x64xf32> to vector<10x64xf32>
    %get3A_75 = arith.constant 0 : index
    %get3A_76 = arith.constant 0 : index
    %get3A_77 = arith.constant 0 : index
    %get3A_78 = vector.load %arg4[%get3A_75, %get3A_76, %get3A_77] : memref<1x64x1xf32, #tpu.memory_space<vmem>>, vector<1x64x1xf32>
    %get3A_79 = vector.shape_cast %get3A_78 : vector<1x64x1xf32> to vector<64x1xf32>
    %mul3A = vector.broadcast %get3A_79 : vector<64x1xf32> to vector<64x64xf32>
    %mul3A_80 = arith.mulf %get3A_64, %mul3A : vector<64x64xf32>
    %get3A_81 = arith.constant 0 : index
    %get3A_82 = arith.constant 0 : index
    %get3A_83 = arith.constant 0 : index
    %get3A_84 = vector.load %arg5[%get3A_81, %get3A_82, %get3A_83] : memref<1x64x1xf32, #tpu.memory_space<vmem>>, vector<1x64x1xf32>
    %get3A_85 = vector.shape_cast %get3A_84 : vector<1x64x1xf32> to vector<64x1xf32>
    %mul3A_86 = vector.broadcast %get3A_85 : vector<64x1xf32> to vector<64x64xf32>
    %mul3A_87 = arith.mulf %get3A_69, %mul3A_86 : vector<64x64xf32>
    %dot_general3A = arith.constant dense<0.000000e+00> : vector<64x64xf32>
    %dot_general3A_88 = tpu.matmul %mul3A_80, %mul3A_87, %dot_general3A {dimension_numbers = #tpu.dot_dimension_numbers<[1], [1], [0], [0], [0, 0, 1, 0], [], []>, transpose_lhs_hint = false} : vector<64x64xf32>, vector<64x64xf32>, vector<64x64xf32> -> vector<64x64xf32>
    %reduce_sum3A = arith.constant dense<0.000000e+00> : vector<64xf32>
    %reduce_sum3A_89 = vector.multi_reduction <add>, %dot_general3A_88, %reduce_sum3A [0] : vector<64x64xf32> to vector<64xf32>
    %broadcast_in_dim3A = vector.shape_cast %reduce_sum3A_89 : vector<64xf32> to vector<1x64xf32>
    %reduce_max3A = arith.constant dense<0xFF800000> : vector<1xf32>
    %reduce_max3A_90 = vector.multi_reduction <maximumf>, %broadcast_in_dim3A, %reduce_max3A [1] : vector<1x64xf32> to vector<1xf32>
    %broadcast_in_dim3A_91 = vector.shape_cast %reduce_max3A_90 : vector<1xf32> to vector<1x1xf32>
    %sub3A_92 = vector.broadcast %broadcast_in_dim3A_91 : vector<1x1xf32> to vector<1x64xf32>
    %sub3A_93 = arith.subf %broadcast_in_dim3A, %sub3A_92 : vector<1x64xf32>
    %exp3A = math.exp %sub3A_93 : vector<1x64xf32>
    %reduce_sum3A_94 = arith.constant dense<0.000000e+00> : vector<1xf32>
    %reduce_sum3A_95 = vector.multi_reduction <add>, %exp3A, %reduce_sum3A_94 [1] : vector<1x64xf32> to vector<1xf32>
    %broadcast_in_dim3A_96 = vector.shape_cast %reduce_sum3A_95 : vector<1xf32> to vector<1x1xf32>
    %div3A_97 = vector.broadcast %broadcast_in_dim3A_96 : vector<1x1xf32> to vector<1x64xf32>
    %div3A_98 = arith.divf %exp3A, %div3A_97 : vector<1x64xf32>
    %dot_general3A_99 = arith.constant dense<0.000000e+00> : vector<1x64xf32>
    %dot_general3A_100 = tpu.matmul %div3A_98, %mul3A_87, %dot_general3A_99 {dimension_numbers = #tpu.dot_dimension_numbers<[1], [0], [0], [1], [0, 0, 1, 1], [], []>, transpose_lhs_hint = false} : vector<1x64xf32>, vector<64x64xf32>, vector<1x64xf32> -> vector<1x64xf32>
    %get3A_101 = arith.constant 0 : index
    %get3A_102 = arith.constant 0 : index
    %get3A_103 = arith.constant 0 : index
    %get3A_104 = vector.load %arg7[%get3A_101, %get3A_102, %get3A_103] : memref<1x1x1xf32, #tpu.memory_space<vmem>>, vector<1x1x1xf32>
    %get3A_105 = vector.shape_cast %get3A_104 : vector<1x1x1xf32> to vector<1x1xf32>
    %get3A_106 = arith.constant 0 : index
    %get3A_107 = arith.constant 0 : index
    %get3A_108 = arith.constant 0 : index
    %get3A_109 = vector.load %arg6[%get3A_106, %get3A_107, %get3A_108] : memref<1x1x1xf32, #tpu.memory_space<vmem>>, vector<1x1x1xf32>
    %get3A_110 = vector.shape_cast %get3A_109 : vector<1x1x1xf32> to vector<1x1xf32>
    %reduce_sum3A_111 = arith.constant dense<0.000000e+00> : vector<64xf32>
    %reduce_sum3A_112 = vector.multi_reduction <add>, %get3A_74, %reduce_sum3A_111 [0] : vector<10x64xf32> to vector<64xf32>
    %broadcast_in_dim3A_113 = vector.shape_cast %reduce_sum3A_112 : vector<64xf32> to vector<1x64xf32>
    %div3A_114 = vector.broadcast %get3A_105 : vector<1x1xf32> to vector<1x64xf32>
    %div3A_115 = arith.divf %broadcast_in_dim3A_113, %div3A_114 : vector<1x64xf32>
    %reduce_sum3A_116 = arith.constant dense<0.000000e+00> : vector<64xf32>
    %reduce_sum3A_117 = vector.multi_reduction <add>, %get3A_69, %reduce_sum3A_116 [0] : vector<64x64xf32> to vector<64xf32>
    %broadcast_in_dim3A_118 = vector.shape_cast %reduce_sum3A_117 : vector<64xf32> to vector<1x64xf32>
    %div3A_119 = vector.broadcast %get3A_110 : vector<1x1xf32> to vector<1x64xf32>
    %div3A_120 = arith.divf %broadcast_in_dim3A_118, %div3A_119 : vector<1x64xf32>
    %get3A_121 = arith.constant 0 : index
    %get3A_122 = arith.constant 0 : index
    %get3A_123 = vector.load %arg8[%get3A_121, %get3A_122] : memref<64x64xf32, #tpu.memory_space<vmem>>, vector<64x64xf32>
    %dot_general3A_124 = arith.constant dense<0.000000e+00> : vector<10x64xf32>
    %dot_general3A_125 = tpu.matmul %get3A_74, %get3A_123, %dot_general3A_124 {dimension_numbers = #tpu.dot_dimension_numbers<[1], [0], [0], [1], [0, 0, 1, 1], [], []>, transpose_lhs_hint = false} : vector<10x64xf32>, vector<64x64xf32>, vector<10x64xf32> -> vector<10x64xf32>
    %get3A_126 = arith.constant 0 : index
    %get3A_127 = arith.constant 0 : index
    %get3A_128 = vector.load %arg9[%get3A_126, %get3A_127] : memref<1x64xf32, #tpu.memory_space<vmem>>, vector<1x64xf32>
    %add3A = vector.broadcast %get3A_128 : vector<1x64xf32> to vector<10x64xf32>
    %add3A_129 = arith.addf %dot_general3A_125, %add3A : vector<10x64xf32>
    %get3A_130 = arith.constant 0 : index
    %get3A_131 = arith.constant 0 : index
    %get3A_132 = vector.load %arg10[%get3A_130, %get3A_131] : memref<64x64xf32, #tpu.memory_space<vmem>>, vector<64x64xf32>
    %dot_general3A_133 = arith.constant dense<0.000000e+00> : vector<1x64xf32>
    %dot_general3A_134 = tpu.matmul %div3A_120, %get3A_132, %dot_general3A_133 {dimension_numbers = #tpu.dot_dimension_numbers<[1], [0], [0], [1], [0, 0, 1, 1], [], []>, transpose_lhs_hint = false} : vector<1x64xf32>, vector<64x64xf32>, vector<1x64xf32> -> vector<1x64xf32>
    %get3A_135 = arith.constant 0 : index
    %get3A_136 = arith.constant 0 : index
    %get3A_137 = vector.load %arg11[%get3A_135, %get3A_136] : memref<1x64xf32, #tpu.memory_space<vmem>>, vector<1x64xf32>
    %add3A_138 = arith.addf %dot_general3A_134, %get3A_137 : vector<1x64xf32>
    %get3A_139 = arith.constant 0 : index
    %get3A_140 = arith.constant 0 : index
    %get3A_141 = vector.load %arg12[%get3A_139, %get3A_140] : memref<64x64xf32, #tpu.memory_space<vmem>>, vector<64x64xf32>
    %dot_general3A_142 = arith.constant dense<0.000000e+00> : vector<10x64xf32>
    %dot_general3A_143 = tpu.matmul %add3A_129, %get3A_141, %dot_general3A_142 {dimension_numbers = #tpu.dot_dimension_numbers<[1], [0], [0], [1], [0, 0, 1, 1], [], []>, transpose_lhs_hint = false} : vector<10x64xf32>, vector<64x64xf32>, vector<10x64xf32> -> vector<10x64xf32>
    %mul3A_144 = vector.broadcast %add3A_138 : vector<1x64xf32> to vector<10x64xf32>
    %mul3A_145 = arith.mulf %dot_general3A_143, %mul3A_144 : vector<10x64xf32>
    %dot_general3A_146 = arith.constant dense<0.000000e+00> : vector<10x32xf32>
    %dot_general3A_147 = tpu.matmul %mul3A_145, %convert_element_type3A_24, %dot_general3A_146 {dimension_numbers = #tpu.dot_dimension_numbers<[1], [0], [0], [1], [0, 0, 1, 1], [], []>, transpose_lhs_hint = false} : vector<10x64xf32>, vector<64x32xf32>, vector<10x32xf32> -> vector<10x32xf32>
    %reduce_max3A_148 = arith.constant dense<0xFF800000> : vector<32xf32>
    %reduce_max3A_149 = vector.multi_reduction <maximumf>, %dot_general3A_147, %reduce_max3A_148 [0] : vector<10x32xf32> to vector<32xf32>
    %broadcast_in_dim3A_150 = vector.shape_cast %reduce_max3A_149 : vector<32xf32> to vector<1x32xf32>
    %sub3A_151 = vector.broadcast %broadcast_in_dim3A_150 : vector<1x32xf32> to vector<10x32xf32>
    %sub3A_152 = arith.subf %dot_general3A_147, %sub3A_151 : vector<10x32xf32>
    %exp3A_153 = math.exp %sub3A_152 : vector<10x32xf32>
    %reduce_sum3A_154 = arith.constant dense<0.000000e+00> : vector<32xf32>
    %reduce_sum3A_155 = vector.multi_reduction <add>, %exp3A_153, %reduce_sum3A_154 [0] : vector<10x32xf32> to vector<32xf32>
    %broadcast_in_dim3A_156 = vector.shape_cast %reduce_sum3A_155 : vector<32xf32> to vector<1x32xf32>
    %div3A_157 = vector.broadcast %broadcast_in_dim3A_156 : vector<1x32xf32> to vector<10x32xf32>
    %div3A_158 = arith.divf %exp3A_153, %div3A_157 : vector<10x32xf32>
    %dot_general3A_159 = arith.constant dense<0.000000e+00> : vector<10x64xf32>
    %dot_general3A_160 = tpu.matmul %div3A_158, %convert_element_type3A_60, %dot_general3A_159 {dimension_numbers = #tpu.dot_dimension_numbers<[1], [0], [0], [1], [0, 0, 1, 1], [], []>, transpose_lhs_hint = false} : vector<10x32xf32>, vector<32x64xf32>, vector<10x64xf32> -> vector<10x64xf32>
    %mul3A_161 = arith.mulf %add3A_129, %dot_general3A_160 : vector<10x64xf32>
    %reduce_sum3A_162 = arith.constant dense<0.000000e+00> : vector<64xf32>
    %reduce_sum3A_163 = vector.multi_reduction <add>, %mul3A_161, %reduce_sum3A_162 [0] : vector<10x64xf32> to vector<64xf32>
    %broadcast_in_dim3A_164 = vector.shape_cast %reduce_sum3A_163 : vector<64xf32> to vector<1x64xf32>
    %get3A_165 = arith.constant 0 : index
    %get3A_166 = arith.constant 0 : index
    %get3A_167 = vector.load %arg13[%get3A_165, %get3A_166] : memref<64x64xf32, #tpu.memory_space<vmem>>, vector<64x64xf32>
    %dot_general3A_168 = arith.constant dense<0.000000e+00> : vector<1x64xf32>
    %dot_general3A_169 = tpu.matmul %broadcast_in_dim3A_164, %get3A_167, %dot_general3A_168 {dimension_numbers = #tpu.dot_dimension_numbers<[1], [0], [0], [1], [0, 0, 1, 1], [], []>, transpose_lhs_hint = false} : vector<1x64xf32>, vector<64x64xf32>, vector<1x64xf32> -> vector<1x64xf32>
    %get3A_170 = arith.constant 0 : index
    %get3A_171 = arith.constant 0 : index
    %get3A_172 = vector.load %arg14[%get3A_170, %get3A_171] : memref<1x64xf32, #tpu.memory_space<vmem>>, vector<1x64xf32>
    %add3A_173 = arith.addf %dot_general3A_169, %get3A_172 : vector<1x64xf32>
    %get3A_174 = arith.constant 0 : index
    %get3A_175 = arith.constant 0 : index
    %get3A_176 = vector.load %arg15[%get3A_174, %get3A_175] : memref<64x64xf32, #tpu.memory_space<vmem>>, vector<64x64xf32>
    %dot_general3A_177 = arith.constant dense<0.000000e+00> : vector<64x64xf32>
    %dot_general3A_178 = tpu.matmul %get3A_69, %get3A_176, %dot_general3A_177 {dimension_numbers = #tpu.dot_dimension_numbers<[1], [0], [0], [1], [0, 0, 1, 1], [], []>, transpose_lhs_hint = false} : vector<64x64xf32>, vector<64x64xf32>, vector<64x64xf32> -> vector<64x64xf32>
    %get3A_179 = arith.constant 0 : index
    %get3A_180 = arith.constant 0 : index
    %get3A_181 = vector.load %arg16[%get3A_179, %get3A_180] : memref<1x64xf32, #tpu.memory_space<vmem>>, vector<1x64xf32>
    %add3A_182 = vector.broadcast %get3A_181 : vector<1x64xf32> to vector<64x64xf32>
    %add3A_183 = arith.addf %dot_general3A_178, %add3A_182 : vector<64x64xf32>
    %get3A_184 = arith.constant 0 : index
    %get3A_185 = arith.constant 0 : index
    %get3A_186 = vector.load %arg17[%get3A_184, %get3A_185] : memref<64x64xf32, #tpu.memory_space<vmem>>, vector<64x64xf32>
    %dot_general3A_187 = arith.constant dense<0.000000e+00> : vector<1x64xf32>
    %dot_general3A_188 = tpu.matmul %div3A_115, %get3A_186, %dot_general3A_187 {dimension_numbers = #tpu.dot_dimension_numbers<[1], [0], [0], [1], [0, 0, 1, 1], [], []>, transpose_lhs_hint = false} : vector<1x64xf32>, vector<64x64xf32>, vector<1x64xf32> -> vector<1x64xf32>
    %get3A_189 = arith.constant 0 : index
    %get3A_190 = arith.constant 0 : index
    %get3A_191 = vector.load %arg18[%get3A_189, %get3A_190] : memref<1x64xf32, #tpu.memory_space<vmem>>, vector<1x64xf32>
    %add3A_192 = arith.addf %dot_general3A_188, %get3A_191 : vector<1x64xf32>
    %get3A_193 = arith.constant 0 : index
    %get3A_194 = arith.constant 0 : index
    %get3A_195 = vector.load %arg19[%get3A_193, %get3A_194] : memref<64x64xf32, #tpu.memory_space<vmem>>, vector<64x64xf32>
    %dot_general3A_196 = arith.constant dense<0.000000e+00> : vector<64x64xf32>
    %dot_general3A_197 = tpu.matmul %add3A_183, %get3A_195, %dot_general3A_196 {dimension_numbers = #tpu.dot_dimension_numbers<[1], [0], [0], [1], [0, 0, 1, 1], [], []>, transpose_lhs_hint = false} : vector<64x64xf32>, vector<64x64xf32>, vector<64x64xf32> -> vector<64x64xf32>
    %mul3A_198 = vector.broadcast %add3A_192 : vector<1x64xf32> to vector<64x64xf32>
    %mul3A_199 = arith.mulf %dot_general3A_197, %mul3A_198 : vector<64x64xf32>
    %dot_general3A_200 = arith.constant dense<0.000000e+00> : vector<64x32xf32>
    %dot_general3A_201 = tpu.matmul %mul3A_199, %convert_element_type3A_24, %dot_general3A_200 {dimension_numbers = #tpu.dot_dimension_numbers<[1], [0], [0], [1], [0, 0, 1, 1], [], []>, transpose_lhs_hint = false} : vector<64x64xf32>, vector<64x32xf32>, vector<64x32xf32> -> vector<64x32xf32>
    %reduce_max3A_202 = arith.constant dense<0xFF800000> : vector<32xf32>
    %reduce_max3A_203 = vector.multi_reduction <maximumf>, %dot_general3A_201, %reduce_max3A_202 [0] : vector<64x32xf32> to vector<32xf32>
    %broadcast_in_dim3A_204 = vector.shape_cast %reduce_max3A_203 : vector<32xf32> to vector<1x32xf32>
    %sub3A_205 = vector.broadcast %broadcast_in_dim3A_204 : vector<1x32xf32> to vector<64x32xf32>
    %sub3A_206 = arith.subf %dot_general3A_201, %sub3A_205 : vector<64x32xf32>
    %exp3A_207 = math.exp %sub3A_206 : vector<64x32xf32>
    %reduce_sum3A_208 = arith.constant dense<0.000000e+00> : vector<32xf32>
    %reduce_sum3A_209 = vector.multi_reduction <add>, %exp3A_207, %reduce_sum3A_208 [0] : vector<64x32xf32> to vector<32xf32>
    %broadcast_in_dim3A_210 = vector.shape_cast %reduce_sum3A_209 : vector<32xf32> to vector<1x32xf32>
    %div3A_211 = vector.broadcast %broadcast_in_dim3A_210 : vector<1x32xf32> to vector<64x32xf32>
    %div3A_212 = arith.divf %exp3A_207, %div3A_211 : vector<64x32xf32>
    %dot_general3A_213 = arith.constant dense<0.000000e+00> : vector<64x64xf32>
    %dot_general3A_214 = tpu.matmul %div3A_212, %convert_element_type3A_60, %dot_general3A_213 {dimension_numbers = #tpu.dot_dimension_numbers<[1], [0], [0], [1], [0, 0, 1, 1], [], []>, transpose_lhs_hint = false} : vector<64x32xf32>, vector<32x64xf32>, vector<64x64xf32> -> vector<64x64xf32>
    %mul3A_215 = arith.mulf %add3A_183, %dot_general3A_214 : vector<64x64xf32>
    %reduce_sum3A_216 = arith.constant dense<0.000000e+00> : vector<64xf32>
    %reduce_sum3A_217 = vector.multi_reduction <add>, %mul3A_215, %reduce_sum3A_216 [0] : vector<64x64xf32> to vector<64xf32>
    %broadcast_in_dim3A_218 = vector.shape_cast %reduce_sum3A_217 : vector<64xf32> to vector<1x64xf32>
    %get3A_219 = arith.constant 0 : index
    %get3A_220 = arith.constant 0 : index
    %get3A_221 = vector.load %arg20[%get3A_219, %get3A_220] : memref<64x64xf32, #tpu.memory_space<vmem>>, vector<64x64xf32>
    %dot_general3A_222 = arith.constant dense<0.000000e+00> : vector<1x64xf32>
    %dot_general3A_223 = tpu.matmul %broadcast_in_dim3A_218, %get3A_221, %dot_general3A_222 {dimension_numbers = #tpu.dot_dimension_numbers<[1], [0], [0], [1], [0, 0, 1, 1], [], []>, transpose_lhs_hint = false} : vector<1x64xf32>, vector<64x64xf32>, vector<1x64xf32> -> vector<1x64xf32>
    %get3A_224 = arith.constant 0 : index
    %get3A_225 = arith.constant 0 : index
    %get3A_226 = vector.load %arg21[%get3A_224, %get3A_225] : memref<1x64xf32, #tpu.memory_space<vmem>>, vector<1x64xf32>
    %add3A_227 = arith.addf %dot_general3A_223, %get3A_226 : vector<1x64xf32>
    %get3A_228 = arith.constant 0 : index
    %get3A_229 = arith.constant 0 : index
    %get3A_230 = vector.load %arg22[%get3A_228, %get3A_229] : memref<192x3xf32, #tpu.memory_space<vmem>>, vector<192x3xf32>
    %slice3A = vector.extract_strided_slice %get3A_230 {offsets = [0, 0], sizes = [64, 3], strides = [1, 1]} : vector<192x3xf32> to vector<64x3xf32>
    %dot_general3A_231 = arith.constant dense<0.000000e+00> : vector<1x3xf32>
    %dot_general3A_232 = tpu.matmul %add3A_173, %slice3A, %dot_general3A_231 {dimension_numbers = #tpu.dot_dimension_numbers<[1], [0], [0], [1], [0, 0, 1, 1], [], []>, transpose_lhs_hint = false} : vector<1x64xf32>, vector<64x3xf32>, vector<1x3xf32> -> vector<1x3xf32>
    %slice3A_233 = vector.extract_strided_slice %get3A_230 {offsets = [64, 0], sizes = [64, 3], strides = [1, 1]} : vector<192x3xf32> to vector<64x3xf32>
    %dot_general3A_234 = arith.constant dense<0.000000e+00> : vector<1x3xf32>
    %dot_general3A_235 = tpu.matmul %add3A_227, %slice3A_233, %dot_general3A_234 {dimension_numbers = #tpu.dot_dimension_numbers<[1], [0], [0], [1], [0, 0, 1, 1], [], []>, transpose_lhs_hint = false} : vector<1x64xf32>, vector<64x3xf32>, vector<1x3xf32> -> vector<1x3xf32>
    %add3A_236 = arith.addf %dot_general3A_232, %dot_general3A_235 : vector<1x3xf32>
    %slice3A_237 = vector.extract_strided_slice %get3A_230 {offsets = [128, 0], sizes = [64, 3], strides = [1, 1]} : vector<192x3xf32> to vector<64x3xf32>
    %dot_general3A_238 = arith.constant dense<0.000000e+00> : vector<1x3xf32>
    %dot_general3A_239 = tpu.matmul %dot_general3A_100, %slice3A_237, %dot_general3A_238 {dimension_numbers = #tpu.dot_dimension_numbers<[1], [0], [0], [1], [0, 0, 1, 1], [], []>, transpose_lhs_hint = false} : vector<1x64xf32>, vector<64x3xf32>, vector<1x3xf32> -> vector<1x3xf32>
    %add3A_240 = arith.addf %add3A_236, %dot_general3A_239 : vector<1x3xf32>
    %get3A_241 = arith.constant 0 : index
    %get3A_242 = arith.constant 0 : index
    %get3A_243 = vector.load %arg23[%get3A_241, %get3A_242] : memref<1x3xf32, #tpu.memory_space<vmem>>, vector<1x3xf32>
    %add3A_244 = arith.addf %add3A_240, %get3A_243 : vector<1x3xf32>
    %swap3A = arith.constant 0 : index
    %swap3A_245 = arith.constant 0 : index
    %swap3A_246 = arith.constant 0 : index
    %swap3A_247 = vector.load %arg24[%swap3A, %swap3A_245, %swap3A_246] : memref<1x1x3xf32, #tpu.memory_space<vmem>>, vector<1x1x3xf32>
    %swap3A_248 = vector.shape_cast %swap3A_247 : vector<1x1x3xf32> to vector<1x3xf32>
    %swap3A_249 = vector.shape_cast %add3A_244 : vector<1x3xf32> to vector<1x1x3xf32>
    tpu.vector_store %arg24[%swap3A, %swap3A_245, %swap3A_246], %swap3A_249 {strides = array<i32>} : memref<1x1x3xf32, #tpu.memory_space<vmem>>, vector<1x1x3xf32>,
    return
  }
  func.func @transform_0(%arg0: i32) -> (i32, i32, i32) {
    %c0_i32 = arith.constant 0 : i32
    %c0_i32_0 = arith.constant 0 : i32
    %c0_i32_1 = arith.constant 0 : i32
    return %arg0, %c0_i32, %c0_i32_0 : i32, i32, i32
  }
  func.func @transform_1(%arg0: i32) -> (i32, i32, i32) {
    %c0_i32 = arith.constant 0 : i32
    %c0_i32_0 = arith.constant 0 : i32
    %c0_i32_1 = arith.constant 0 : i32
    return %arg0, %c0_i32, %c0_i32_0 : i32, i32, i32
  }
  func.func @transform_2(%arg0: i32) -> (i32, i32, i32) {
    %c0_i32 = arith.constant 0 : i32
    %c0_i32_0 = arith.constant 0 : i32
    %c0_i32_1 = arith.constant 0 : i32
    return %arg0, %c0_i32, %c0_i32_0 : i32, i32, i32
  }
  func.func @transform_3(%arg0: i32) -> (i32, i32, i32) {
    %c0_i32 = arith.constant 0 : i32
    %c0_i32_0 = arith.constant 0 : i32
    %c0_i32_1 = arith.constant 0 : i32
    return %arg0, %c0_i32, %c0_i32_0 : i32, i32, i32
  }
  func.func @transform_4(%arg0: i32) -> (i32, i32, i32) {
    %c0_i32 = arith.constant 0 : i32
    %c0_i32_0 = arith.constant 0 : i32
    %c0_i32_1 = arith.constant 0 : i32
    return %arg0, %c0_i32, %c0_i32_0 : i32, i32, i32
  }
  func.func @transform_5(%arg0: i32) -> (i32, i32, i32) {
    %c0_i32 = arith.constant 0 : i32
    %c0_i32_0 = arith.constant 0 : i32
    %c0_i32_1 = arith.constant 0 : i32
    return %arg0, %c0_i32, %c0_i32_0 : i32, i32, i32
  }
  func.func @transform_6(%arg0: i32) -> (i32, i32, i32) {
    %c0_i32 = arith.constant 0 : i32
    %c0_i32_0 = arith.constant 0 : i32
    %c0_i32_1 = arith.constant 0 : i32
    return %arg0, %c0_i32, %c0_i32_0 : i32, i32, i32
  }
  func.func @transform_7(%arg0: i32) -> (i32, i32) {
    %c0_i32 = arith.constant 0 : i32
    %c0_i32_0 = arith.constant 0 : i32
    %c0_i32_1 = arith.constant 0 : i32
    return %c0_i32, %c0_i32_0 : i32, i32
  }
  func.func @transform_8(%arg0: i32) -> (i32, i32) {
    %c0_i32 = arith.constant 0 : i32
    %c0_i32_0 = arith.constant 0 : i32
    %c0_i32_1 = arith.constant 0 : i32
    return %c0_i32, %c0_i32_0 : i32, i32
  }
  func.func @transform_9(%arg0: i32) -> (i32, i32) {
    %c0_i32 = arith.constant 0 : i32
    %c0_i32_0 = arith.constant 0 : i32
    %c0_i32_1 = arith.constant 0 : i32
    return %c0_i32, %c0_i32_0 : i32, i32
  }
  func.func @transform_10(%arg0: i32) -> (i32, i32) {
    %c0_i32 = arith.constant 0 : i32
    %c0_i32_0 = arith.constant 0 : i32
    %c0_i32_1 = arith.constant 0 : i32
    return %c0_i32, %c0_i32_0 : i32, i32
  }
  func.func @transform_11(%arg0: i32) -> (i32, i32) {
    %c0_i32 = arith.constant 0 : i32
    %c0_i32_0 = arith.constant 0 : i32
    %c0_i32_1 = arith.constant 0 : i32
    return %c0_i32, %c0_i32_0 : i32, i32
  }
  func.func @transform_12(%arg0: i32) -> (i32, i32) {
    %c0_i32 = arith.constant 0 : i32
    %c0_i32_0 = arith.constant 0 : i32
    %c0_i32_1 = arith.constant 0 : i32
    return %c0_i32, %c0_i32_0 : i32, i32
  }
  func.func @transform_13(%arg0: i32) -> (i32, i32) {
    %c0_i32 = arith.constant 0 : i32
    %c0_i32_0 = arith.constant 0 : i32
    %c0_i32_1 = arith.constant 0 : i32
    return %c0_i32, %c0_i32_0 : i32, i32
  }
  func.func @transform_14(%arg0: i32) -> (i32, i32) {
    %c0_i32 = arith.constant 0 : i32
    %c0_i32_0 = arith.constant 0 : i32
    %c0_i32_1 = arith.constant 0 : i32
    return %c0_i32, %c0_i32_0 : i32, i32
  }
  func.func @transform_15(%arg0: i32) -> (i32, i32) {
    %c0_i32 = arith.constant 0 : i32
    %c0_i32_0 = arith.constant 0 : i32
    %c0_i32_1 = arith.constant 0 : i32
    return %c0_i32, %c0_i32_0 : i32, i32
  }
  func.func @transform_16(%arg0: i32) -> (i32, i32) {
    %c0_i32 = arith.constant 0 : i32
    %c0_i32_0 = arith.constant 0 : i32
    %c0_i32_1 = arith.constant 0 : i32
    return %c0_i32, %c0_i32_0 : i32, i32
  }
  func.func @transform_17(%arg0: i32) -> (i32, i32) {
    %c0_i32 = arith.constant 0 : i32
    %c0_i32_0 = arith.constant 0 : i32
    %c0_i32_1 = arith.constant 0 : i32
    return %c0_i32, %c0_i32_0 : i32, i32
  }
  func.func @transform_18(%arg0: i32) -> (i32, i32) {
    %c0_i32 = arith.constant 0 : i32
    %c0_i32_0 = arith.constant 0 : i32
    %c0_i32_1 = arith.constant 0 : i32
    return %c0_i32, %c0_i32_0 : i32, i32
  }
  func.func @transform_19(%arg0: i32) -> (i32, i32) {
    %c0_i32 = arith.constant 0 : i32
    %c0_i32_0 = arith.constant 0 : i32
    %c0_i32_1 = arith.constant 0 : i32
    return %c0_i32, %c0_i32_0 : i32, i32
  }
  func.func @transform_20(%arg0: i32) -> (i32, i32) {
    %c0_i32 = arith.constant 0 : i32
    %c0_i32_0 = arith.constant 0 : i32
    %c0_i32_1 = arith.constant 0 : i32
    return %c0_i32, %c0_i32_0 : i32, i32
  }
  func.func @transform_21(%arg0: i32) -> (i32, i32) {
    %c0_i32 = arith.constant 0 : i32
    %c0_i32_0 = arith.constant 0 : i32
    %c0_i32_1 = arith.constant 0 : i32
    return %c0_i32, %c0_i32_0 : i32, i32
  }
  func.func @transform_22(%arg0: i32) -> (i32, i32) {
    %c0_i32 = arith.constant 0 : i32
    %c0_i32_0 = arith.constant 0 : i32
    %c0_i32_1 = arith.constant 0 : i32
    return %c0_i32, %c0_i32_0 : i32, i32
  }
  func.func @transform_23(%arg0: i32) -> (i32, i32, i32) {
    %c0_i32 = arith.constant 0 : i32
    %c0_i32_0 = arith.constant 0 : i32
    %c0_i32_1 = arith.constant 0 : i32
    return %arg0, %c0_i32, %c0_i32_0 : i32, i32, i32
  }
}

module attributes {stable_mosaic.version = 14 : i64} {
  func.func @_gru_body(%arg0: memref<16x64xi32, #tpu.memory_space<vmem>>, %arg1: memref<16x10xi32, #tpu.memory_space<vmem>>, %arg2: memref<16x64xi32, #tpu.memory_space<vmem>>, %arg3: memref<16x64x64xf32, #tpu.memory_space<vmem>>, %arg4: memref<1024x384xf32, #tpu.memory_space<vmem>>, %arg5: memref<160x384xf32, #tpu.memory_space<vmem>>, %arg6: memref<384x192xf32, #tpu.memory_space<vmem>>, %arg7: memref<64x192xf32, #tpu.memory_space<vmem>>, %arg8: memref<1x192xf32, #tpu.memory_space<vmem>>, %arg9: memref<1x192xf32, #tpu.memory_space<vmem>>, %arg10: memref<384x192xf32, #tpu.memory_space<vmem>>, %arg11: memref<64x192xf32, #tpu.memory_space<vmem>>, %arg12: memref<1x192xf32, #tpu.memory_space<vmem>>, %arg13: memref<1x192xf32, #tpu.memory_space<vmem>>, %arg14: memref<16x64x64xf32, #tpu.memory_space<vmem>>, %arg15: memref<16x10x64xf32, #tpu.memory_space<vmem>>, %arg16: memref<16x64xf32, #tpu.memory_space<vmem>>, %arg17: memref<16x64xf32, #tpu.memory_space<vmem>>, %arg18: memref<16x1xf32, #tpu.memory_space<vmem>>, %arg19: memref<16x1xf32, #tpu.memory_space<vmem>>, %arg20: memref<16x64x192xf32, #tpu.memory_space<vmem>>, %arg21: memref<16x10x192xf32, #tpu.memory_space<vmem>>) attributes {dimension_semantics = [], scalar_prefetch = 0 : i64, scratch_operands = 2 : i64, tpu.core_type = #tpu.core_type<tc>} {
    %get3A = arith.constant 0 : index
    %get3A_0 = arith.constant 0 : index
    %get3A_1 = vector.load %arg0[%get3A, %get3A_0] : memref<16x64xi32, #tpu.memory_space<vmem>>, vector<16x64xi32>
    %ne3A = arith.constant 0 : i32
    %ne3A_2 = vector.broadcast %ne3A : i32 to vector<16x64xi32>
    %ne3A_3 = arith.cmpi ne, %get3A_1, %ne3A_2 : vector<16x64xi32>
    %convert_element_type3A = arith.extui %ne3A_3 : vector<16x64xi1> to vector<16x64xi32>
    %convert_element_type3A_4 = arith.sitofp %convert_element_type3A : vector<16x64xi32> to vector<16x64xf32>
    %reduce_sum3A = arith.constant dense<0.000000e+00> : vector<16xf32>
    %reduce_sum3A_5 = vector.multi_reduction <add>, %convert_element_type3A_4, %reduce_sum3A [1] : vector<16x64xf32> to vector<16xf32>
    %broadcast_in_dim3A = vector.shape_cast %reduce_sum3A_5 : vector<16xf32> to vector<16x1xf32>
    %add3A = arith.constant 5.000000e+00 : f32
    %add3A_6 = vector.broadcast %add3A : f32 to vector<16x1xf32>
    %add3A_7 = arith.addf %broadcast_in_dim3A, %add3A_6 : vector<16x1xf32>
    %get3A_8 = arith.constant 0 : index
    %get3A_9 = arith.constant 0 : index
    %get3A_10 = vector.load %arg1[%get3A_8, %get3A_9] : memref<16x10xi32, #tpu.memory_space<vmem>>, vector<16x10xi32>
    %ne3A_11 = arith.constant 0 : i32
    %ne3A_12 = vector.broadcast %ne3A_11 : i32 to vector<16x10xi32>
    %ne3A_13 = arith.cmpi ne, %get3A_10, %ne3A_12 : vector<16x10xi32>
    %convert_element_type3A_14 = arith.extui %ne3A_13 : vector<16x10xi1> to vector<16x10xi32>
    %convert_element_type3A_15 = arith.sitofp %convert_element_type3A_14 : vector<16x10xi32> to vector<16x10xf32>
    %reduce_sum3A_16 = arith.constant dense<0.000000e+00> : vector<16xf32>
    %reduce_sum3A_17 = vector.multi_reduction <add>, %convert_element_type3A_15, %reduce_sum3A_16 [1] : vector<16x10xf32> to vector<16xf32>
    %broadcast_in_dim3A_18 = vector.shape_cast %reduce_sum3A_17 : vector<16xf32> to vector<16x1xf32>
    %get3A_19 = arith.constant 0 : index
    %get3A_20 = arith.constant 0 : index
    %get3A_21 = vector.load %arg2[%get3A_19, %get3A_20] : memref<16x64xi32, #tpu.memory_space<vmem>>, vector<16x64xi32>
    %ne3A_22 = arith.constant 0 : i32
    %ne3A_23 = vector.broadcast %ne3A_22 : i32 to vector<16x64xi32>
    %ne3A_24 = arith.cmpi ne, %get3A_21, %ne3A_23 : vector<16x64xi32>
    %convert_element_type3A_25 = arith.extui %ne3A_24 : vector<16x64xi1> to vector<16x64xi32>
    %convert_element_type3A_26 = arith.sitofp %convert_element_type3A_25 : vector<16x64xi32> to vector<16x64xf32>
    %reduce_sum3A_27 = arith.constant dense<0.000000e+00> : vector<16xf32>
    %reduce_sum3A_28 = vector.multi_reduction <add>, %convert_element_type3A_26, %reduce_sum3A_27 [1] : vector<16x64xf32> to vector<16xf32>
    %broadcast_in_dim3A_29 = vector.shape_cast %reduce_sum3A_28 : vector<16xf32> to vector<16x1xf32>
    %swap3A = arith.constant 0 : index
    %swap3A_30 = arith.constant 0 : index
    %swap3A_31 = vector.load %arg18[%swap3A, %swap3A_30] : memref<16x1xf32, #tpu.memory_space<vmem>>, vector<16x1xf32>
    tpu.vector_store %arg18[%swap3A, %swap3A_30], %add3A_7 {strides = array<i32>} : memref<16x1xf32, #tpu.memory_space<vmem>>, vector<16x1xf32>,
    %swap3A_32 = arith.constant 0 : index
    %swap3A_33 = arith.constant 0 : index
    %swap3A_34 = vector.load %arg19[%swap3A_32, %swap3A_33] : memref<16x1xf32, #tpu.memory_space<vmem>>, vector<16x1xf32>
    tpu.vector_store %arg19[%swap3A_32, %swap3A_33], %broadcast_in_dim3A_18 {strides = array<i32>} : memref<16x1xf32, #tpu.memory_space<vmem>>, vector<16x1xf32>,
    %iota3A = tpu.iota {dimensions = array<i32: 1>} : vector<16x64xi32>
    %convert_element_type3A_35 = arith.sitofp %iota3A : vector<16x64xi32> to vector<16x64xf32>
    %ge3A = vector.broadcast %broadcast_in_dim3A_29 : vector<16x1xf32> to vector<16x64xf32>
    %ge3A_36 = arith.cmpf oge, %convert_element_type3A_35, %ge3A : vector<16x64xf32>
    %add3A_37 = arith.addf %broadcast_in_dim3A_29, %broadcast_in_dim3A_18 : vector<16x1xf32>
    %sub3A = arith.constant 1.000000e+00 : f32
    %sub3A_38 = vector.broadcast %sub3A : f32 to vector<16x1xf32>
    %sub3A_39 = arith.subf %add3A_37, %sub3A_38 : vector<16x1xf32>
    %le3A = vector.broadcast %sub3A_39 : vector<16x1xf32> to vector<16x64xf32>
    %le3A_40 = arith.cmpf ole, %convert_element_type3A_35, %le3A : vector<16x64xf32>
    %and3A = arith.andi %ge3A_36, %le3A_40 : vector<16x64xi1>
    %get3A_41 = arith.constant 0 : index
    %get3A_42 = arith.constant 0 : index
    %get3A_43 = arith.constant 0 : index
    %get3A_44 = vector.load %arg3[%get3A_41, %get3A_42, %get3A_43] : memref<16x64x64xf32, #tpu.memory_space<vmem>>, vector<16x64x64xf32>
    %slice3A = vector.extract_strided_slice %get3A_44 {offsets = [0, 0, 59], sizes = [16, 64, 5], strides = [1, 1, 1]} : vector<16x64x64xf32> to vector<16x64x5xf32>
    %reduce_sum3A_45 = arith.constant dense<0.000000e+00> : vector<16x64xf32>
    %reduce_sum3A_46 = vector.multi_reduction <add>, %slice3A, %reduce_sum3A_45 [2] : vector<16x64x5xf32> to vector<16x64xf32>
    %ne3A_47 = arith.constant 0.000000e+00 : f32
    %ne3A_48 = vector.broadcast %ne3A_47 : f32 to vector<16x64xf32>
    %ne3A_49 = arith.cmpf one, %reduce_sum3A_46, %ne3A_48 : vector<16x64xf32>
    %lt3A = arith.constant 5.900000e+01 : f32
    %lt3A_50 = vector.broadcast %lt3A : f32 to vector<16x64xf32>
    %lt3A_51 = arith.cmpf olt, %convert_element_type3A_35, %lt3A_50 : vector<16x64xf32>
    %and3A_52 = arith.andi %ne3A_49, %lt3A_51 : vector<16x64xi1>
    %or3A = arith.ori %and3A, %and3A_52 : vector<16x64xi1>
    %convert_element_type3A_53 = arith.extui %and3A : vector<16x64xi1> to vector<16x64xi32>
    %convert_element_type3A_54 = arith.sitofp %convert_element_type3A_53 : vector<16x64xi32> to vector<16x64xf32>
    %swap3A_55 = arith.constant 0 : index
    %swap3A_56 = arith.constant 0 : index
    %swap3A_57 = vector.load %arg16[%swap3A_55, %swap3A_56] : memref<16x64xf32, #tpu.memory_space<vmem>>, vector<16x64xf32>
    tpu.vector_store %arg16[%swap3A_55, %swap3A_56], %convert_element_type3A_54 {strides = array<i32>} : memref<16x64xf32, #tpu.memory_space<vmem>>, vector<16x64xf32>,
    %convert_element_type3A_58 = arith.extui %or3A : vector<16x64xi1> to vector<16x64xi32>
    %convert_element_type3A_59 = arith.sitofp %convert_element_type3A_58 : vector<16x64xi32> to vector<16x64xf32>
    %swap3A_60 = arith.constant 0 : index
    %swap3A_61 = arith.constant 0 : index
    %swap3A_62 = vector.load %arg17[%swap3A_60, %swap3A_61] : memref<16x64xf32, #tpu.memory_space<vmem>>, vector<16x64xf32>
    tpu.vector_store %arg17[%swap3A_60, %swap3A_61], %convert_element_type3A_59 {strides = array<i32>} : memref<16x64xf32, #tpu.memory_space<vmem>>, vector<16x64xf32>,
    %get3A_63 = arith.constant 0 : index
    %get3A_64 = arith.constant 0 : index
    %get3A_65 = vector.load %arg4[%get3A_63, %get3A_64] : memref<1024x384xf32, #tpu.memory_space<vmem>>, vector<1024x384xf32>
    %get3A_66 = arith.constant 0 : index
    %get3A_67 = arith.constant 0 : index
    %get3A_68 = vector.load %arg6[%get3A_66, %get3A_67] : memref<384x192xf32, #tpu.memory_space<vmem>>, vector<384x192xf32>
    %get3A_69 = arith.constant 0 : index
    %get3A_70 = arith.constant 0 : index
    %get3A_71 = vector.load %arg7[%get3A_69, %get3A_70] : memref<64x192xf32, #tpu.memory_space<vmem>>, vector<64x192xf32>
    %get3A_72 = arith.constant 0 : index
    %get3A_73 = arith.constant 0 : index
    %get3A_74 = vector.load %arg8[%get3A_72, %get3A_73] : memref<1x192xf32, #tpu.memory_space<vmem>>, vector<1x192xf32>
    %get3A_75 = arith.constant 0 : index
    %get3A_76 = arith.constant 0 : index
    %get3A_77 = vector.load %arg9[%get3A_75, %get3A_76] : memref<1x192xf32, #tpu.memory_space<vmem>>, vector<1x192xf32>
    %dot_general3A = arith.constant dense<0.000000e+00> : vector<1024x192xf32>
    %dot_general3A_78 = tpu.matmul %get3A_65, %get3A_68, %dot_general3A {dimension_numbers = #tpu.dot_dimension_numbers<[1], [0], [0], [1], [0, 0, 1, 1], [], []>, transpose_lhs_hint = false} : vector<1024x384xf32>, vector<384x192xf32>, vector<1024x192xf32> -> vector<1024x192xf32>
    %add3A_79 = vector.broadcast %get3A_74 : vector<1x192xf32> to vector<1024x192xf32>
    %add3A_80 = arith.addf %dot_general3A_78, %add3A_79 : vector<1024x192xf32>
    %reshape3A = vector.shape_cast %add3A_80 : vector<1024x192xf32> to vector<16x64x192xf32>
    %swap3A_81 = arith.constant 0 : index
    %swap3A_82 = arith.constant 0 : index
    %swap3A_83 = arith.constant 0 : index
    %swap3A_84 = vector.load %arg20[%swap3A_81, %swap3A_82, %swap3A_83] : memref<16x64x192xf32, #tpu.memory_space<vmem>>, vector<16x64x192xf32>
    tpu.vector_store %arg20[%swap3A_81, %swap3A_82, %swap3A_83], %reshape3A {strides = array<i32>} : memref<16x64x192xf32, #tpu.memory_space<vmem>>, vector<16x64x192xf32>,
    %broadcast_in_dim3A_85 = arith.constant 0.000000e+00 : f32
    %broadcast_in_dim3A_86 = vector.broadcast %broadcast_in_dim3A_85 : f32 to vector<16x64xf32>
    %scan3A = arith.constant 0 : i32
    %scan3A_87 = arith.constant 64 : i32
    %scan3A_88 = arith.addi %scan3A, %scan3A_87 : i32
    %scan3A_89 = arith.constant 1 : i32
    %scan3A_90 = scf.for %scan3A_124 = %scan3A to %scan3A_88 step %scan3A_89 iter_args(%scan3A_125 = %broadcast_in_dim3A_86) -> (vector<16x64xf32>)  : i32 {
      %get3A_126 = arith.constant 0 : index
      %get3A_127 = arith.index_cast %scan3A_124 : i32 to index
      %get3A_128 = arith.constant 0 : index
      %get3A_129 = vector.load %arg20[%get3A_126, %get3A_127, %get3A_128] : memref<16x64x192xf32, #tpu.memory_space<vmem>>, vector<16x1x192xf32>
      %squeeze3A = vector.shape_cast %get3A_129 : vector<16x1x192xf32> to vector<16x192xf32>
      %dot_general3A_130 = arith.constant dense<0.000000e+00> : vector<16x192xf32>
      %dot_general3A_131 = tpu.matmul %scan3A_125, %get3A_71, %dot_general3A_130 {dimension_numbers = #tpu.dot_dimension_numbers<[1], [0], [0], [1], [0, 0, 1, 1], [], []>, transpose_lhs_hint = false} : vector<16x64xf32>, vector<64x192xf32>, vector<16x192xf32> -> vector<16x192xf32>
      %slice3A_132 = vector.extract_strided_slice %squeeze3A {offsets = [0, 0], sizes = [16, 64], strides = [1, 1]} : vector<16x192xf32> to vector<16x64xf32>
      %slice3A_133 = vector.extract_strided_slice %dot_general3A_131 {offsets = [0, 0], sizes = [16, 64], strides = [1, 1]} : vector<16x192xf32> to vector<16x64xf32>
      %add3A_134 = arith.addf %slice3A_132, %slice3A_133 : vector<16x64xf32>
      %slice3A_135 = vector.extract_strided_slice %get3A_77 {offsets = [0, 0], sizes = [1, 64], strides = [1, 1]} : vector<1x192xf32> to vector<1x64xf32>
      %add3A_136 = vector.broadcast %slice3A_135 : vector<1x64xf32> to vector<16x64xf32>
      %add3A_137 = arith.addf %add3A_134, %add3A_136 : vector<16x64xf32>
      %logistic3A = arith.negf %add3A_137 : vector<16x64xf32>
      %logistic3A_138 = math.exp %logistic3A : vector<16x64xf32>
      %logistic3A_139 = arith.constant 1.000000e+00 : f32
      %logistic3A_140 = vector.broadcast %logistic3A_139 : f32 to vector<16x64xf32>
      %logistic3A_141 = arith.addf %logistic3A_140, %logistic3A_138 : vector<16x64xf32>
      %logistic3A_142 = arith.divf %logistic3A_140, %logistic3A_141 : vector<16x64xf32>
      %slice3A_143 = vector.extract_strided_slice %squeeze3A {offsets = [0, 64], sizes = [16, 64], strides = [1, 1]} : vector<16x192xf32> to vector<16x64xf32>
      %slice3A_144 = vector.extract_strided_slice %dot_general3A_131 {offsets = [0, 64], sizes = [16, 64], strides = [1, 1]} : vector<16x192xf32> to vector<16x64xf32>
      %add3A_145 = arith.addf %slice3A_143, %slice3A_144 : vector<16x64xf32>
      %slice3A_146 = vector.extract_strided_slice %get3A_77 {offsets = [0, 64], sizes = [1, 64], strides = [1, 1]} : vector<1x192xf32> to vector<1x64xf32>
      %add3A_147 = vector.broadcast %slice3A_146 : vector<1x64xf32> to vector<16x64xf32>
      %add3A_148 = arith.addf %add3A_145, %add3A_147 : vector<16x64xf32>
      %logistic3A_149 = arith.negf %add3A_148 : vector<16x64xf32>
      %logistic3A_150 = math.exp %logistic3A_149 : vector<16x64xf32>
      %logistic3A_151 = arith.constant 1.000000e+00 : f32
      %logistic3A_152 = vector.broadcast %logistic3A_151 : f32 to vector<16x64xf32>
      %logistic3A_153 = arith.addf %logistic3A_152, %logistic3A_150 : vector<16x64xf32>
      %logistic3A_154 = arith.divf %logistic3A_152, %logistic3A_153 : vector<16x64xf32>
      %slice3A_155 = vector.extract_strided_slice %squeeze3A {offsets = [0, 128], sizes = [16, 64], strides = [1, 1]} : vector<16x192xf32> to vector<16x64xf32>
      %slice3A_156 = vector.extract_strided_slice %dot_general3A_131 {offsets = [0, 128], sizes = [16, 64], strides = [1, 1]} : vector<16x192xf32> to vector<16x64xf32>
      %slice3A_157 = vector.extract_strided_slice %get3A_77 {offsets = [0, 128], sizes = [1, 64], strides = [1, 1]} : vector<1x192xf32> to vector<1x64xf32>
      %add3A_158 = vector.broadcast %slice3A_157 : vector<1x64xf32> to vector<16x64xf32>
      %add3A_159 = arith.addf %slice3A_156, %add3A_158 : vector<16x64xf32>
      %mul3A = arith.mulf %logistic3A_142, %add3A_159 : vector<16x64xf32>
      %add3A_160 = arith.addf %slice3A_155, %mul3A : vector<16x64xf32>
      %tanh3A = math.tanh %add3A_160 : vector<16x64xf32>
      %sub3A_161 = arith.constant 1.000000e+00 : f32
      %sub3A_162 = vector.broadcast %sub3A_161 : f32 to vector<16x64xf32>
      %sub3A_163 = arith.subf %sub3A_162, %logistic3A_154 : vector<16x64xf32>
      %mul3A_164 = arith.mulf %sub3A_163, %tanh3A : vector<16x64xf32>
      %mul3A_165 = arith.mulf %logistic3A_154, %scan3A_125 : vector<16x64xf32>
      %add3A_166 = arith.addf %mul3A_164, %mul3A_165 : vector<16x64xf32>
      %convert_element_type3A_167 = arith.sitofp %scan3A_124 : i32 to f32
      %gt3A = vector.broadcast %convert_element_type3A_167 : f32 to vector<16x1xf32>
      %gt3A_168 = arith.cmpf ogt, %add3A_7, %gt3A : vector<16x1xf32>
      %convert_element_type3A_169 = arith.extui %gt3A_168 : vector<16x1xi1> to vector<16x1xi32>
      %convert_element_type3A_170 = arith.sitofp %convert_element_type3A_169 : vector<16x1xi32> to vector<16x1xf32>
      %mul3A_171 = vector.broadcast %convert_element_type3A_170 : vector<16x1xf32> to vector<16x64xf32>
      %mul3A_172 = arith.mulf %add3A_166, %mul3A_171 : vector<16x64xf32>
      %broadcast_in_dim3A_173 = vector.shape_cast %mul3A_172 : vector<16x64xf32> to vector<16x1x64xf32>
      %swap3A_174 = arith.constant 0 : index
      %swap3A_175 = arith.index_cast %scan3A_124 : i32 to index
      %swap3A_176 = arith.constant 0 : index
      %swap3A_177 = vector.load %arg14[%swap3A_174, %swap3A_175, %swap3A_176] : memref<16x64x64xf32, #tpu.memory_space<vmem>>, vector<16x1x64xf32>
      tpu.vector_store %arg14[%swap3A_174, %swap3A_175, %swap3A_176], %broadcast_in_dim3A_173 {strides = array<i32>} : memref<16x64x64xf32, #tpu.memory_space<vmem>>, vector<16x1x64xf32>,
      scf.yield %add3A_166 : vector<16x64xf32>
    }
    %scan3A_91 = arith.constant 64 : i32
    %get3A_92 = arith.constant 0 : index
    %get3A_93 = arith.constant 0 : index
    %get3A_94 = vector.load %arg5[%get3A_92, %get3A_93] : memref<160x384xf32, #tpu.memory_space<vmem>>, vector<160x384xf32>
    %get3A_95 = arith.constant 0 : index
    %get3A_96 = arith.constant 0 : index
    %get3A_97 = vector.load %arg10[%get3A_95, %get3A_96] : memref<384x192xf32, #tpu.memory_space<vmem>>, vector<384x192xf32>
    %get3A_98 = arith.constant 0 : index
    %get3A_99 = arith.constant 0 : index
    %get3A_100 = vector.load %arg11[%get3A_98, %get3A_99] : memref<64x192xf32, #tpu.memory_space<vmem>>, vector<64x192xf32>
    %get3A_101 = arith.constant 0 : index
    %get3A_102 = arith.constant 0 : index
    %get3A_103 = vector.load %arg12[%get3A_101, %get3A_102] : memref<1x192xf32, #tpu.memory_space<vmem>>, vector<1x192xf32>
    %get3A_104 = arith.constant 0 : index
    %get3A_105 = arith.constant 0 : index
    %get3A_106 = vector.load %arg13[%get3A_104, %get3A_105] : memref<1x192xf32, #tpu.memory_space<vmem>>, vector<1x192xf32>
    %dot_general3A_107 = arith.constant dense<0.000000e+00> : vector<160x192xf32>
    %dot_general3A_108 = tpu.matmul %get3A_94, %get3A_97, %dot_general3A_107 {dimension_numbers = #tpu.dot_dimension_numbers<[1], [0], [0], [1], [0, 0, 1, 1], [], []>, transpose_lhs_hint = false} : vector<160x384xf32>, vector<384x192xf32>, vector<160x192xf32> -> vector<160x192xf32>
    %add3A_109 = vector.broadcast %get3A_103 : vector<1x192xf32> to vector<160x192xf32>
    %add3A_110 = arith.addf %dot_general3A_108, %add3A_109 : vector<160x192xf32>
    %reshape3A_111 = vector.shape_cast %add3A_110 : vector<160x192xf32> to vector<16x10x192xf32>
    %swap3A_112 = arith.constant 0 : index
    %swap3A_113 = arith.constant 0 : index
    %swap3A_114 = arith.constant 0 : index
    %swap3A_115 = vector.load %arg21[%swap3A_112, %swap3A_113, %swap3A_114] : memref<16x10x192xf32, #tpu.memory_space<vmem>>, vector<16x10x192xf32>
    tpu.vector_store %arg21[%swap3A_112, %swap3A_113, %swap3A_114], %reshape3A_111 {strides = array<i32>} : memref<16x10x192xf32, #tpu.memory_space<vmem>>, vector<16x10x192xf32>,
    %broadcast_in_dim3A_116 = arith.constant 0.000000e+00 : f32
    %broadcast_in_dim3A_117 = vector.broadcast %broadcast_in_dim3A_116 : f32 to vector<16x64xf32>
    %scan3A_118 = arith.constant 0 : i32
    %scan3A_119 = arith.constant 10 : i32
    %scan3A_120 = arith.addi %scan3A_118, %scan3A_119 : i32
    %scan3A_121 = arith.constant 1 : i32
    %scan3A_122 = scf.for %scan3A_124 = %scan3A_118 to %scan3A_120 step %scan3A_121 iter_args(%scan3A_125 = %broadcast_in_dim3A_117) -> (vector<16x64xf32>)  : i32 {
      %get3A_126 = arith.constant 0 : index
      %get3A_127 = arith.index_cast %scan3A_124 : i32 to index
      %get3A_128 = arith.constant 0 : index
      %get3A_129 = vector.load %arg21[%get3A_126, %get3A_127, %get3A_128] : memref<16x10x192xf32, #tpu.memory_space<vmem>>, vector<16x1x192xf32>
      %squeeze3A = vector.shape_cast %get3A_129 : vector<16x1x192xf32> to vector<16x192xf32>
      %dot_general3A_130 = arith.constant dense<0.000000e+00> : vector<16x192xf32>
      %dot_general3A_131 = tpu.matmul %scan3A_125, %get3A_100, %dot_general3A_130 {dimension_numbers = #tpu.dot_dimension_numbers<[1], [0], [0], [1], [0, 0, 1, 1], [], []>, transpose_lhs_hint = false} : vector<16x64xf32>, vector<64x192xf32>, vector<16x192xf32> -> vector<16x192xf32>
      %slice3A_132 = vector.extract_strided_slice %squeeze3A {offsets = [0, 0], sizes = [16, 64], strides = [1, 1]} : vector<16x192xf32> to vector<16x64xf32>
      %slice3A_133 = vector.extract_strided_slice %dot_general3A_131 {offsets = [0, 0], sizes = [16, 64], strides = [1, 1]} : vector<16x192xf32> to vector<16x64xf32>
      %add3A_134 = arith.addf %slice3A_132, %slice3A_133 : vector<16x64xf32>
      %slice3A_135 = vector.extract_strided_slice %get3A_106 {offsets = [0, 0], sizes = [1, 64], strides = [1, 1]} : vector<1x192xf32> to vector<1x64xf32>
      %add3A_136 = vector.broadcast %slice3A_135 : vector<1x64xf32> to vector<16x64xf32>
      %add3A_137 = arith.addf %add3A_134, %add3A_136 : vector<16x64xf32>
      %logistic3A = arith.negf %add3A_137 : vector<16x64xf32>
      %logistic3A_138 = math.exp %logistic3A : vector<16x64xf32>
      %logistic3A_139 = arith.constant 1.000000e+00 : f32
      %logistic3A_140 = vector.broadcast %logistic3A_139 : f32 to vector<16x64xf32>
      %logistic3A_141 = arith.addf %logistic3A_140, %logistic3A_138 : vector<16x64xf32>
      %logistic3A_142 = arith.divf %logistic3A_140, %logistic3A_141 : vector<16x64xf32>
      %slice3A_143 = vector.extract_strided_slice %squeeze3A {offsets = [0, 64], sizes = [16, 64], strides = [1, 1]} : vector<16x192xf32> to vector<16x64xf32>
      %slice3A_144 = vector.extract_strided_slice %dot_general3A_131 {offsets = [0, 64], sizes = [16, 64], strides = [1, 1]} : vector<16x192xf32> to vector<16x64xf32>
      %add3A_145 = arith.addf %slice3A_143, %slice3A_144 : vector<16x64xf32>
      %slice3A_146 = vector.extract_strided_slice %get3A_106 {offsets = [0, 64], sizes = [1, 64], strides = [1, 1]} : vector<1x192xf32> to vector<1x64xf32>
      %add3A_147 = vector.broadcast %slice3A_146 : vector<1x64xf32> to vector<16x64xf32>
      %add3A_148 = arith.addf %add3A_145, %add3A_147 : vector<16x64xf32>
      %logistic3A_149 = arith.negf %add3A_148 : vector<16x64xf32>
      %logistic3A_150 = math.exp %logistic3A_149 : vector<16x64xf32>
      %logistic3A_151 = arith.constant 1.000000e+00 : f32
      %logistic3A_152 = vector.broadcast %logistic3A_151 : f32 to vector<16x64xf32>
      %logistic3A_153 = arith.addf %logistic3A_152, %logistic3A_150 : vector<16x64xf32>
      %logistic3A_154 = arith.divf %logistic3A_152, %logistic3A_153 : vector<16x64xf32>
      %slice3A_155 = vector.extract_strided_slice %squeeze3A {offsets = [0, 128], sizes = [16, 64], strides = [1, 1]} : vector<16x192xf32> to vector<16x64xf32>
      %slice3A_156 = vector.extract_strided_slice %dot_general3A_131 {offsets = [0, 128], sizes = [16, 64], strides = [1, 1]} : vector<16x192xf32> to vector<16x64xf32>
      %slice3A_157 = vector.extract_strided_slice %get3A_106 {offsets = [0, 128], sizes = [1, 64], strides = [1, 1]} : vector<1x192xf32> to vector<1x64xf32>
      %add3A_158 = vector.broadcast %slice3A_157 : vector<1x64xf32> to vector<16x64xf32>
      %add3A_159 = arith.addf %slice3A_156, %add3A_158 : vector<16x64xf32>
      %mul3A = arith.mulf %logistic3A_142, %add3A_159 : vector<16x64xf32>
      %add3A_160 = arith.addf %slice3A_155, %mul3A : vector<16x64xf32>
      %tanh3A = math.tanh %add3A_160 : vector<16x64xf32>
      %sub3A_161 = arith.constant 1.000000e+00 : f32
      %sub3A_162 = vector.broadcast %sub3A_161 : f32 to vector<16x64xf32>
      %sub3A_163 = arith.subf %sub3A_162, %logistic3A_154 : vector<16x64xf32>
      %mul3A_164 = arith.mulf %sub3A_163, %tanh3A : vector<16x64xf32>
      %mul3A_165 = arith.mulf %logistic3A_154, %scan3A_125 : vector<16x64xf32>
      %add3A_166 = arith.addf %mul3A_164, %mul3A_165 : vector<16x64xf32>
      %convert_element_type3A_167 = arith.sitofp %scan3A_124 : i32 to f32
      %gt3A = vector.broadcast %convert_element_type3A_167 : f32 to vector<16x1xf32>
      %gt3A_168 = arith.cmpf ogt, %broadcast_in_dim3A_18, %gt3A : vector<16x1xf32>
      %convert_element_type3A_169 = arith.extui %gt3A_168 : vector<16x1xi1> to vector<16x1xi32>
      %convert_element_type3A_170 = arith.sitofp %convert_element_type3A_169 : vector<16x1xi32> to vector<16x1xf32>
      %mul3A_171 = vector.broadcast %convert_element_type3A_170 : vector<16x1xf32> to vector<16x64xf32>
      %mul3A_172 = arith.mulf %add3A_166, %mul3A_171 : vector<16x64xf32>
      %broadcast_in_dim3A_173 = vector.shape_cast %mul3A_172 : vector<16x64xf32> to vector<16x1x64xf32>
      %swap3A_174 = arith.constant 0 : index
      %swap3A_175 = arith.index_cast %scan3A_124 : i32 to index
      %swap3A_176 = arith.constant 0 : index
      %swap3A_177 = vector.load %arg15[%swap3A_174, %swap3A_175, %swap3A_176] : memref<16x10x64xf32, #tpu.memory_space<vmem>>, vector<16x1x64xf32>
      tpu.vector_store %arg15[%swap3A_174, %swap3A_175, %swap3A_176], %broadcast_in_dim3A_173 {strides = array<i32>} : memref<16x10x64xf32, #tpu.memory_space<vmem>>, vector<16x1x64xf32>,
      scf.yield %add3A_166 : vector<16x64xf32>
    }
    %scan3A_123 = arith.constant 10 : i32
    return
  }
}

</mosaic_0001>

<sc_bundles>
// kernel: kernel.6.cloned.1.call-start
scs
__scs_entry_jumppad:
0x0: {  	(pc) =	sbr.rel $0x88, $3  }
0x1: {  	(tag) =	ssettag $0x0;
	lr =	simm.s32 $0x1  }
0x2: {  	[smem:$0x3F7E] =	sst lr;
	_ =	strace $0xD0000000  }
0x3: {  	_ = 	snop  }
0x4: {  	_ = 	snop  }
0x5: {  	_ = 	snop  }
0x6: {  	_ = 	snop  }
0x7: {  	_ = 	snop  }
__scs_overlays_trampoline_lowered:
0x8: {  	[smem:$0x3F8D] =	sst s0  }
0x9: {  	[smem:$0x3F8E] =	sst s1  }
0xa: {  	[smem:$0x3F8F] =	sst s2  }
0xb: {  	[smem:$0x3F90] =	sst s3  }
0xc: {  	[smem:$0x3F91] =	sst s4  }
0xd: {  	[smem:$0x3F92] =	sst s5  }
0xe: {  	[smem:$0x3F93] =	sst s6  }
0xf: {  	[smem:$0x3F94] =	sst s7  }
0x10: {  	[smem:$0x3F95] =	sst s8  }
0x11: {  	[smem:$0x3F96] =	sst s9;
	s0 =	simm.s32 @!p0 $0x0  }
0x12: {  	s1 =	sld [smem:$0x3F7C];
	s0 =	simm.s32 @p0 $0x1  }
0x13: {  	[smem:$0x3F97] =	sst s0;
	s0 =	simm.s32 @!p1 $0x0  }
0x14: {  	s2 =	sld [smem:$0x3F7B];
	s0 =	simm.s32 @p1 $0x1  }
0x15: {  	[smem:$0x3F98] =	sst s0;
	s0 =	simm.s32 @!p2 $0x0  }
0x16: {  	s3 =	sld [smem:$0x3FDB];
	s0 =	simm.s32 @p2 $0x1  }
0x17: {  	s4 =	simm.s32 $0x1BF5;
	[smem:$0x3F9A] =	sst s0  }
0x18: {  	s0 =	sld [smem:$0x3F7D];
	_ =	swait.ge [sflag:s4], $0x0  }
0x19: {  	s7 =	sld [smem:$0x3F7E]  }
0x1a: {  	s8 =	sadd.s32 $0xFFFFE003, lr  }
0x1b: {  	s9 =	sadd.s32 $0xFFFFFEF7, lr;
	s5 =	simm.s32 $0xFFFFFFFF;
	p2 =	slt.u32 s8, $0xFFFFF086  }
0x1c: {  	p1 =	slt.u32 s9, $0xF7A;
	s5 =	simm.s32 @!p2 $0x0  }
0x1d: {  	s5 =	simm.s32 @p1 $0x1;
	p0 =	seq.s32 s7, s2  }
0x1e: {  	s7 =	smul.u32 @!p0 $0xF7A, s2;
	p2 =	seq.s32 @!p0 s5, $0x0  }
0x1f: {  	s9 =	smul.u32 $0xF7A, s1;
	s8 =	simm.s32 @!p0 $0x1BF5;
	p2 =	por !p2, p0  }
0x20: {  	[sflag:s8] =	ssyncset.s32 @!p0 $0xFFFFF086;
	s6 =	sadd.s32 @!p0 s3, s7;
	s7 =	simm.s32 @!p0 $0x108  }
0x21: {  	s3 =	sadd.s32 s3, s9;
	s6 =	sadd.s32 @!p0 $0x88, s6;
	s7 =	simm.s32 @p2 $0x1082  }
0x22: {  	[simem:s7], [sflag:s8] =	dma.local @!p0 [hbm:s6], $0xF7A  }
0x23: {  	s9 =	sor.u32 $0xD0000000, s2;
	s6 =	simm.s32 $0x108;
	_ =	swait.ge @!p0 [sflag:s8], $0x0  }
0x24: {  	s3 =	sadd.s32 $0x88, s3;
	s6 =	simm.s32 @!p1 $0x1082;
	[sflag:s4] =	ssyncset.s32 $0xFFFFF086  }
0x25: {  	[simem:s6], [sflag:s4] =	dma.local [hbm:s3], $0xF7A  }
0x26: {  	[smem:$0x3F7E] =	sst s1;
	(tag) =	ssettag s2;
	_ =	strace s9  }
0x27: {  	s1 =	sld [smem:$0x3F8E]  }
0x28: {  	s2 =	sld [smem:$0x3F8F]  }
0x29: {  	s4 =	sld [smem:$0x3F91]  }
0x2a: {  	p0 =	seq.s32 s5, $0x0;
	s5 =	sld [smem:$0x3F92]  }
0x2b: {  	s6 =	sld [smem:$0x3F93]  }
0x2c: {  	s7 =	sld [smem:$0x3F94]  }
0x2d: {  	s3 =	simm.s32 $0x108;
	s8 =	sld [smem:$0x3F95]  }
0x2e: {  	s3 =	simm.s32 @!p0 $0x1082;
	s9 =	sld [smem:$0x3F96]  }
0x2f: {  	lr =	sadd.s32 s0, s3;
	s0 =	sld [smem:$0x3F8D]  }
0x30: {  	s3 =	sld [smem:$0x3F90]  }
0x31: {  	[smem:$0x3F99] =	sst s10  }
0x32: {  	s10 =	sld [smem:$0x3F97];
	_ =	sdelay $0x3  }
0x33: {  	p0 =	seq.s32 s10, $0x1;
	s10 =	sld [smem:$0x3F99];
	_ =	sdelay $0x3  }
0x34: {  	[smem:$0x3F99] =	sst s10  }
0x35: {  	s10 =	sld [smem:$0x3F98];
	_ =	sdelay $0x3  }
0x36: {  	p1 =	seq.s32 s10, $0x1;
	s10 =	sld [smem:$0x3F99];
	_ =	sdelay $0x3  }
0x37: {  	[smem:$0x3F99] =	sst s10  }
0x38: {  	s10 =	sld [smem:$0x3F9A]  }
0x39: {  	_ = 	snop;
	(pc) =	sbr.ind lr, $3  }
0x3a: {  	_ = 	snop  }
0x3b: {  	_ = 	snop  }
0x3c: {  	p2 =	seq.s32 s10, $0x1;
	s10 =	sld [smem:$0x3F99]  }
0x3d: {  	_ =	shalt  }
0x3e: {  	_ =	shalt  }
0x3f: {  	_ =	shalt  }
0x40: {  	_ =	shalt  }
0x41: {  	_ =	shalt  }
0x42: {  	_ =	shalt  }
0x43: {  	_ =	shalt  }
0x44: {  	_ =	shalt  }
0x45: {  	_ =	shalt  }
0x46: {  	_ =	shalt  }
0x47: {  	_ =	shalt  }
0x48: {  	_ =	shalt  }
0x49: {  	_ =	shalt  }
0x4a: {  	_ =	shalt  }
0x4b: {  	_ =	shalt  }
0x4c: {  	_ =	shalt  }
0x4d: {  	_ =	shalt  }
0x4e: {  	_ =	shalt  }
0x4f: {  	_ =	shalt  }
0x50: {  	_ =	shalt  }
0x51: {  	_ =	shalt  }
0x52: {  	_ =	shalt  }
0x53: {  	_ =	shalt  }
0x54: {  	_ =	shalt  }
0x55: {  	_ =	shalt  }
0x56: {  	_ =	shalt  }
0x57: {  	_ =	shalt  }
0x58: {  	_ =	shalt  }
0x59: {  	_ =	shalt  }
0x5a: {  	_ =	shalt  }
0x5b: {  	_ =	shalt  }
0x5c: {  	_ =	shalt  }
0x5d: {  	_ =	shalt  }
0x5e: {  	_ =	shalt  }
0x5f: {  	_ =	shalt  }
0x60: {  	_ =	shalt  }
0x61: {  	_ =	shalt  }
0x62: {  	_ =	shalt  }
0x63: {  	_ =	shalt  }
0x64: {  	_ =	shalt  }
0x65: {  	_ =	shalt  }
0x66: {  	_ =	shalt  }
0x67: {  	_ =	shalt  }
0x68: {  	_ =	shalt  }
0x69: {  	_ =	shalt  }
0x6a: {  	_ =	shalt  }
0x6b: {  	_ =	shalt  }
0x6c: {  	_ =	shalt  }
0x6d: {  	_ =	shalt  }
0x6e: {  	_ =	shalt  }
0x6f: {  	_ =	shalt  }
0x70: {  	_ =	shalt  }
0x71: {  	_ =	shalt  }
0x72: {  	_ =	shalt  }
0x73: {  	_ =	shalt  }
0x74: {  	_ =	shalt  }
0x75: {  	_ =	shalt  }
0x76: {  	_ =	shalt  }
0x77: {  	_ =	shalt  }
0x78: {  	_ =	shalt  }
0x79: {  	_ =	shalt  }
0x7a: {  	_ =	shalt  }
0x7b: {  	_ =	shalt  }
0x7c: {  	_ =	shalt  }
0x7d: {  	_ =	shalt  }
0x7e: {  	_ =	shalt  }
0x7f: {  	_ =	shalt  }
0x80: {  	_ =	shalt  }
0x81: {  	_ =	shalt  }
0x82: {  	_ =	shalt  }
0x83: {  	_ =	shalt  }
0x84: {  	_ =	shalt  }
0x85: {  	_ =	shalt  }
0x86: {  	_ =	shalt  }
0x87: {  	_ =	shalt  }
.Lfunc_end0:
.L_simem_size_0:
called_computation_lowered:
.L_overlay_start_0:
0x88: {  	s2 =	sld [smem:$0x3FD9]  }
0x89: {  	s3 =	sld [smem:$0x3FFE];
	_ =	sdelay $0x1  }
0x8a: {  	s1 =	srdreg.scid  }
0x8b: {  	s0 =	sand.u32 $0x1, s1  }
0x8c: {  	s16 =	sshll.u32 s0, $0xA;
	s2 =	sadd.s32 s3, s2  }
0x8d: {  	s2 =	sadd.s32 s2, s16  }
0x8e: {  	[smem:$0x3FA5] =	sst s2  }
0x8f: {  	_ = 	snop  }
0x90: {  	(tm) =	ssettm $0x1  }
0x91: {  	s17 =	sld [smem:$0x3FFB];
	_ =	sdelay $0x3  }
0x92: {  	_ =	strace s17  }
0x93: {  	s2 =	sld [smem:$0x3FFC];
	_ =	sdelay $0x3  }
0x94: {  	_ =	strace s2  }
0x95: {  	s2 =	sld [smem:$0x3FFD];
	_ =	sdelay $0x3  }
0x96: {  	_ =	strace s2  }
0x97: {  	_ =	strace $0x8FFFFFFF  }
0x98: {  	s18 =	sld [smem:$0x3FDB];
	_ =	sdelay $0x1  }
0x99: {  	s19 =	simm.s32 $_scs_section_size  }
0x9a: {  	s4 =	simm.s32 $_size__tile_overlayer_lowered;
	s5 =	simm.s32 $_tile_overlayer_lowered  }
0x9b: {  	s22 =	simm.s32 $0x1BFF;
	s21 =	sshll.u32 s5, $0x1;
	s2 =	sadd.s32 s19, s18  }
0x9c: {  	s6 =	simm.s32 $0x0;
	s20 =	sshll.u32 s4, $0x1;
	s4 =	sadd.s32 s21, s2  }
0x9d: {  	[timem:s6], [sflag:s22] =	dma.local [hbm:s4], s20  }
0x9e: {  	_ =	swait.ge [sflag:s22], s20  }
0x9f: {  	s3 =	ssub.s32 $0x0, s20;
	[sflag:s22] =	ssyncset.done $0x0  }
0xa0: {  	[sflag:s22] =	ssyncadd.s32 s3;
	_ =	sdelay $0x1  }
0xa1: {  	s23 =	simm.s32 $0x1B8B  }
0xa2: {  	_ =	swait.ge [sflag:s23], $0x1  }
0xa3: {  	[sflag:s23] =	ssyncset.done $0x0  }
0xa4: {  	s25 =	simm.s32 $0x1B8E;
	s24 =	sld [smem:$0x3FFE];
	[sflag:s23] =	ssyncadd.s32 $0xFFFFFFFF  }
0xa5: {  	s26 =	simm.s32 $execute0_lowered;
	[smem:$0x3FD2] =	sst s25  }
0xa6: {  	s4 =	sshll.u32 s26, $0x1;
	_ =	strace $0x80000046;
	[dreg:$0x1] =	wrdreg $0xFFFFFFFF  }
0xa7: {  	s28 =	simm.s32 $_size_execute0_lowered;
	s2 =	sadd.s32 s2, s4;
	[dreg:$0x0] =	wrdreg $0x0  }
0xa8: {  	s4 =	sshll.u32 s28, $0x1;
	[dreg:$0x2] =	wrdreg s2  }
0xa9: {  	[dreg:$0x3] =	wrdreg s4  }
0xaa: {  	[dreg:$0x4] =	wrdreg $0xC0  }
0xab: {  	_ =	task [dreg:s6], $0x5FFFF  }
0xac: {  	[dreg:$0x1] =	wrdreg $0xFFFFFFFF  }
0xad: {  	[dreg:$0x0] =	wrdreg $0x60  }
0xae: {  	[dreg:$0x2] =	wrdreg s24  }
0xaf: {  	[dreg:$0x3] =	wrdreg $0x9  }
0xb0: {  	_ =	task.clear_ibuf [dreg:s6], $0x4FFFF;
	_ =	strace $0x90000046  }
0xb1: {  	s29 =	simm.s32 $0x9;
	_ =	strace $0x80000048  }
0xb2: {  	_ =	swait.ge [sflag:s29], $0x1  }
0xb3: {  	[sflag:s29] =	ssyncadd.s32 $0xFFFFFFFF  }
0xb4: {  	_ =	strace $0x90000048  }
0xb5: {  	_ =	sfence  }
0xb6: {  	s30 =	sld [smem:$0x0];
	_ =	sdelay $0x2  }
0xb7: {  	s31 =	sshll.u32 s1, $0xD;
	s1 =	sshrl.u32 s1, $0x2  }
0xb8: {  	s3 =	sand.u32 $0x4000, s31;
	s1 =	sadd.s32 s1, s30  }
0xb9: {  	s0 =	sor.u32 s3, s0;
	s1 =	sshll.u32 s1, $0x11  }
0xba: {  	s0 =	sor.u32 s1, s0  }
0xbb: {  	s0 =	sadd.s32 $0x8F2B, s0  }
0xbc: {  	[sflag:s0] =	ssyncadd.remote.s32 $0x1  }
0xbd: {  	_ =	sfence.sel $0xFFFF  }
0xbe: {  	[dreg:$0x0] =	wrdreg $0xFFFFFFFF;
	(pc) =	sbr.abs _section_cstart, $3  }
0xbf: {  	[dreg:$0x1] =	wrdreg $0xFFFFFFFF  }
0xc0: {  	_ =	task.clear_ibuf [dreg:s6], $0x2FFFF;
	_ =	strace $0x9FFFFFFF  }
0xc1: {  	(tm) =	ssettm $0x7FFFFFFF  }
tec
execute0_lowered:
.L_overlay_start_1:
0x0: {  	(tag) =	ssettag $0x1  }
0x1: {  	s1 =	srdreg.scid  }
0x2: {  	s0 =	stileid.u32;
	s5 =	rddreg [dreg:$0x0];
	s2 =	simm.s32 $0x0  }
0x3: {  	s10 =	simm.s32 $0x880;
	s11 =	simm.s32 $0xC80;
	s12 =	simm.s32 $0x1480  }
0x4: {  	s13 =	simm.s32 $0x1880;
	s14 =	simm.s32 $0x2080;
	s15 =	simm.s32 $0x2480  }
0x5: {  	s16 =	simm.s32 $0x2C80;
	s17 =	simm.s32 $0x3080;
	s18 =	simm.s32 $0x3880  }
0x6: {  	s3 =	sand.u32 $0x1, s1;
	s4 =	sshll.u32 s0, $0x1;
	s1 =	rddreg [dreg:$0x1]  }
0x7: {  	s19 =	simm.s32 $0x1;
	[smem:$0x7FF] =	sst s2;
	s4 =	sor.u32 s3, s4  }
0x8: {  	_ =	strace $0x80000047;
	s7 =	ssub.s32 $0x2, s3;
	s6 =	smul.u32 $0x5, s4  }
0x9: {  	s3 =	sadd.s32 $0x498E00, s5;
	s4 =	smul.u32 $0x780, s4;
	s8 =	sshrl.u32 s7, $0x1  }
0xa: {  	v2 =	vlaneseq.u32;
	s7 =	ssub.s32 s7, s8;
	s8 =	simm.s32 $0x2;
	s6 =	sadd.s32 s6, s5  }
0xb: {  	vm0 =	vmmov $0xffff;
	vm1 =	vmmov $0xff;
	v1 =	vshrl.u32 v2, $0x3;
	s9 =	sadd.s32 s4, s5;
	s5 =	sadd.s32 $0x498F00, s5;
	s7 =	smax.u32 s7, $0x1  }
0xc: {  	v0 =	vand.u32 $0x7, v2;
	v2 =	vor.u32 $0x8, v2;
	v1 =	vmul.u32 $0x8, v1;
	s4 =	sadd.s32 $0x5000, s6;
	s6 =	sadd.s32 $0x5200, s9;
	s9 =	simm.s32 $0x80  }
.LBB2_1:
0xd: {  	[tilespmem:s2], [sflag:$0x2] =	stream.linear.gather [hbm4b:s4+s2], $0x28, $0x38;
	[tilespmem:$0x3C80] =	vst v63  }
0xe: {  	_ =	swait.ge [sflag:s8], $0x28  }
0xf: {  	[sflag:s8] =	ssyncset.done $0x0  }
0x10: {  	[sflag:s8] =	ssyncadd.s32 $0xFFFFFFD8  }
0x11: {  	v3 =	vld [tilespmem:$0x0];
	_ =	sdelay $0x4  }
0x12: {  	v4 =	vshrl.u32 v3, $0x3  }
0x13: {  	v4 =	vmul.u32 $0x18, v4  }
0x14: {  	v3 =	vand.u32 $0x7, v3  }
0x15: {  	v3 =	vor.u32 v3, v4  }
0x16: {  	v4 =	vperm.xlane v3, v0;
	_ =	sdelay $0x1  }
0x17: {  	v4 =	vadd.s32 v1, v4;
	_ =	sdelay $0x1  }
0x18: {  	v3 =	vperm.xlane v3, v2;
	_ =	sdelay $0x1  }
0x19: {  	v3 =	vadd.s32 v1, v3  }
0x1a: {  	[tilespmem:s9], [sflag:$0x1] =	stream.indirect_vreg.gather [hbm4b:s3+s2], $0x80, v4, vm0, $0xb8;
	[tilespmem:$0x3C80] =	vst v63  }
0x1b: {  	_ = 	snop  }
0x1c: {  	[tilespmem:s10], [sflag:$0x1] =	stream.indirect_vreg.gather [hbm4b:s5+s2], $0x80, v4, vm1, $0xb8;
	[tilespmem:$0x3C80] =	vst v63  }
0x1d: {  	_ = 	snop  }
0x1e: {  	[tilespmem:s11], [sflag:$0x1] =	stream.indirect_vreg.gather [hbm4b:s3+s2], $0x80, v3, vm0, $0xb8;
	[tilespmem:$0x3C80] =	vst v63  }
0x1f: {  	_ = 	snop  }
0x20: {  	[tilespmem:s12], [sflag:$0x1] =	stream.indirect_vreg.gather [hbm4b:s5+s2], $0x80, v3, vm1, $0xb8;
	[tilespmem:$0x3C80] =	vst v63  }
0x21: {  	v3 =	vld [tilespmem:$0x10];
	_ =	sdelay $0x4  }
0x22: {  	v62 =	vshrl.u32 v3, $0x3  }
0x23: {  	v4 =	vmul.u32 $0x18, v62  }
0x24: {  	v3 =	vand.u32 $0x7, v3  }
0x25: {  	v3 =	vor.u32 v3, v4  }
0x26: {  	v4 =	vperm.xlane v3, v0;
	_ =	sdelay $0x1  }
0x27: {  	v4 =	vadd.s32 v1, v4;
	_ =	sdelay $0x1  }
0x28: {  	v3 =	vperm.xlane v3, v2;
	_ =	sdelay $0x1  }
0x29: {  	v3 =	vadd.s32 v1, v3  }
0x2a: {  	[tilespmem:s13], [sflag:$0x1] =	stream.indirect_vreg.gather [hbm4b:s3+s2], $0x80, v4, vm0, $0xb8;
	[tilespmem:$0x3C80] =	vst v63  }
0x2b: {  	_ = 	snop  }
0x2c: {  	[tilespmem:s14], [sflag:$0x1] =	stream.indirect_vreg.gather [hbm4b:s5+s2], $0x80, v4, vm1, $0xb8;
	[tilespmem:$0x3C80] =	vst v63  }
0x2d: {  	_ = 	snop  }
0x2e: {  	[tilespmem:s15], [sflag:$0x1] =	stream.indirect_vreg.gather [hbm4b:s3+s2], $0x80, v3, vm0, $0xb8;
	[tilespmem:$0x3C80] =	vst v63  }
0x2f: {  	_ = 	snop  }
0x30: {  	[tilespmem:s16], [sflag:$0x1] =	stream.indirect_vreg.gather [hbm4b:s5+s2], $0x80, v3, vm1, $0xb8;
	[tilespmem:$0x3C80] =	vst v63  }
0x31: {  	v3 =	vld.msk [tilespmem:$0x20], $0xff;
	_ =	sdelay $0x4  }
0x32: {  	v63 =	vshrl.u32 v3, $0x3  }
0x33: {  	v4 =	vmul.u32 $0x18, v63  }
0x34: {  	v3 =	vand.u32 $0x7, v3  }
0x35: {  	v3 =	vor.u32 v3, v4  }
0x36: {  	v3 =	vperm.xlane v3, v0;
	_ =	sdelay $0x1  }
0x37: {  	v3 =	vadd.s32 v1, v3;
	_ =	sdelay $0x4  }
0x38: {  	[tilespmem:s17], [sflag:$0x1] =	stream.indirect_vreg.gather [hbm4b:s3+s2], $0x80, v3, vm0, $0xb8;
	[tilespmem:$0x3C80] =	vst v63  }
0x39: {  	_ = 	snop  }
0x3a: {  	[tilespmem:s18], [sflag:$0x1] =	stream.indirect_vreg.gather [hbm4b:s5+s2], $0x80, v3, vm1, $0xb8;
	[tilespmem:$0x3C80] =	vst v63  }
0x3b: {  	_ =	swait.ge [sflag:s19], $0x3C00  }
0x3c: {  	p0 =	sne.s32 s7, $0x1;
	[sflag:s19] =	ssyncset.done $0x0  }
.Ltmp0:
0x3d: {  	[sflag:s19] =	ssyncadd.s32 $0xFFFFC400;
	(pc) =	sbr.rel @p0 .LBB2_1-.Ltmp0, $4  }
0x3e: {  	[hbm4b:s6+s2] =	stream.linear.scatter [tilespmem:s9], [sflag:$0x2], $0x3C00, $0x38;
	[tilespmem:$0x3C80] =	vst v63  }
0x3f: {  	_ =	swait.ge [sflag:s8], $0x3C00  }
0x40: {  	[sflag:s8] =	ssyncset.done $0x0  }
0x41: {  	s7 =	sadd.s32 $0xFFFFFFFF, s7;
	[sflag:s8] =	ssyncadd.s32 $0xFFFFC400  }
0x42: {  	_ =	sfence.sel $0x180000  }
0x43: {  	[bflag:$0x0] =	sbarrier.arrive $0xFFFF  }
0x44: {  	p0 =	sne.s32 s0, $0x0;
	_ =	strace $0x90000047  }
0x45: {  	s0 =	sadd.s32 @!p0 $0x100000, s1;
	[bflag:$0x2] =	sbarrier.arrive $0xFFFF  }
0x46: {  	[sflag:s0] =	ssyncadd.tile.s32 @!p0 $0x1;
	_ =	shalt  }
.Lfunc_end2:
_tile_overlayer_lowered:
.L_overlay_start_2:
0x47: {  	(tag) =	ssettag $0x2  }
0x48: {  	s0 =	rddreg [dreg:$0x0];
	s2 =	stileid.u32  }
0x49: {  	s1 =	rddreg [dreg:$0x1];
	p0 =	sne.s32 s2, $0x0  }
0x4a: {  	s3 =	rddreg [dreg:$0x2];
	[bflag:$0x3] =	sbarrier.arrive $0xFFFF;
	s2 =	simm.s32 @!p0 $0x1C02  }
0x4b: {  	[timem:s3], [sflag:s2] =	dma.local @!p0 [hbm:s0], s1  }
0x4c: {  	s0 =	simm.s32 @!p0 $0x2  }
0x4d: {  	_ =	swait.ge @!p0 [sflag:s0], s1  }
0x4e: {  	s1 =	ssub.s32 @!p0 $0x0, s1;
	[sflag:s0] =	ssyncset.done @!p0 $0x0  }
0x4f: {  	[sflag:s0] =	ssyncadd.s32 @!p0 s1  }
0x50: {  	[bflag:$0x3] =	sbarrier.arrive $0xFFFF  }
0x51: {  	_ =	shalt  }

</sc_bundles>
